<compile_context>
chip_gen: v7x
topology: tpu7x:2x2x1
jax: 0.10.2.dev20260603
libtpu: 0.0.44.dev20260713+nightly
codegen_flags: <defaults>
</compile_context>

<pallas_src>
import functools

import numpy as np
import jax
import jax.numpy as jnp
from jax import lax
from jax.experimental import pallas as pl
from jax.experimental.pallas import tpu as pltpu
from jax.experimental.pallas import tpu_sc as plsc

_H = 768
_F = 1536
_E = 8
_T = 2048
_TILE = 256
_M = 6144
_NT = _M // _TILE
_F_BLK = 768
_NW = 32
_ROWS_W = _M // _NW
_GCHUNK = 32
_TOK_W = _T // _NW
_CCHUNK = 16

_TRI = np.tril(np.ones((512, 512), np.float32), -1)
_LI = np.tril(np.ones((8, 8), np.float32), 0)

_SC_PARAMS = pltpu.CompilerParams(
    needs_layout_passes=False,
    use_tc_tiling_on_sc=False,
)


def _router_body(x_ref, gw_ref, tri_ref, li_ref, pos1_ref, pos2_ref,
                 w1_ref, w2_ref, se_ref):
    x = x_ref[...]
    logits = lax.dot_general(x, gw_ref[...], (((1,), (1,)), ((), ())),
                             preferred_element_type=jnp.float32)
    p = jax.nn.softmax(logits, axis=-1)
    lane = lax.broadcasted_iota(jnp.int32, p.shape, 1)
    i1 = jnp.argmax(p, axis=-1)
    m1h = lane == i1[:, None]
    m1 = jnp.max(p, axis=-1, keepdims=True)
    p2 = jnp.where(m1h, -jnp.inf, p)
    i2 = jnp.argmax(p2, axis=-1)
    m2h = lane == i2[:, None]
    m2 = jnp.max(p2, axis=-1, keepdims=True)
    denom = m1 + m2 + 1e-8
    w1_ref[...] = m1 / denom
    w2_ref[...] = m2 / denom

    oh1 = m1h.astype(jnp.float32)
    oh2 = m2h.astype(jnp.float32)
    tri = tri_ref[...]
    carry = jnp.zeros((1, _E), jnp.float32)
    ranks = []
    for blk in range(8):
        oh = oh1 if blk < 4 else oh2
        ohb = oh[(blk % 4) * 512:(blk % 4) * 512 + 512, :]
        part = lax.dot_general(tri, ohb.astype(jnp.bfloat16),
                               (((1,), (0,)), ((), ())),
                               preferred_element_type=jnp.float32)
        ranks.append(part + carry)
        carry = carry + jnp.sum(ohb, axis=0, keepdims=True)
    rank1 = jnp.concatenate(ranks[0:4], axis=0)
    rank2 = jnp.concatenate(ranks[4:8], axis=0)

    ones_col = jnp.ones((_T, 1), jnp.float32)
    c_col = lax.dot_general(oh1 + oh2, ones_col, (((0,), (0,)), ((), ())),
                            preferred_element_type=jnp.float32)
    pc_col = jnp.ceil(c_col / _TILE) * _TILE
    pend_col = lax.dot_general(li_ref[...], pc_col, (((1,), (0,)), ((), ())),
                               preferred_element_type=jnp.float32)
    pstart_col = pend_col - pc_col

    base1 = lax.dot_general(oh1, pstart_col, (((1,), (0,)), ((), ())),
                            preferred_element_type=jnp.float32)
    base2 = lax.dot_general(oh2, pstart_col, (((1,), (0,)), ((), ())),
                            preferred_element_type=jnp.float32)
    r1 = jnp.sum(oh1 * rank1, axis=1, keepdims=True)
    r2 = jnp.sum(oh2 * rank2, axis=1, keepdims=True)
    pos1_ref[...] = (base1 + r1).astype(jnp.int32)
    pos2_ref[...] = (base2 + r2).astype(jnp.int32)

    m_iota = lax.broadcasted_iota(jnp.int32, (_E, 64), 1).astype(
        jnp.float32)
    hit = (pend_col <= m_iota * _TILE).astype(jnp.float32)
    te = lax.dot_general(jnp.ones((1, _E), jnp.float32), hit,
                         (((1,), (0,)), ((), ())),
                         preferred_element_type=jnp.float32)
    te = jnp.minimum(te, float(_E - 1))
    mrow = lax.broadcasted_iota(jnp.int32, (1, 64), 1)
    tei = te.astype(jnp.int32)
    e7 = (lax.broadcasted_iota(jnp.int32, (1, _E), 1) == _E - 1
          ).astype(jnp.float32)
    nr = lax.dot_general(e7, pend_col, (((1,), (0,)), ((), ())),
                         preferred_element_type=jnp.float32) / _TILE
    tei = jnp.where(mrow == _NT, nr.astype(jnp.int32), tei)
    se_ref[...] = tei


def _run_router(xf, gate_W):
    return pl.pallas_call(
        _router_body,
        grid=(1,),
        in_specs=[
            pl.BlockSpec((_T, _H), lambda i: (0, 0)),
            pl.BlockSpec((_E, _H), lambda i: (0, 0)),
            pl.BlockSpec((512, 512), lambda i: (0, 0)),
            pl.BlockSpec((_E, _E), lambda i: (0, 0)),
        ],
        out_specs=[
            pl.BlockSpec((_T, 1), lambda i: (0, 0)),
            pl.BlockSpec((_T, 1), lambda i: (0, 0)),
            pl.BlockSpec((_T, 1), lambda i: (0, 0)),
            pl.BlockSpec((_T, 1), lambda i: (0, 0)),
            pl.BlockSpec((1, 64), lambda i: (0, 0)),
        ],
        out_shape=[
            jax.ShapeDtypeStruct((_T, 1), jnp.int32),
            jax.ShapeDtypeStruct((_T, 1), jnp.int32),
            jax.ShapeDtypeStruct((_T, 1), jnp.float32),
            jax.ShapeDtypeStruct((_T, 1), jnp.float32),
            jax.ShapeDtypeStruct((1, 64), jnp.int32),
        ],
    )(xf, gate_W, jnp.asarray(_TRI, jnp.bfloat16),
      jnp.asarray(_LI, jnp.float32))


def _scatter_body(p1_hbm, p2_hbm, w1_hbm, w2_hbm, tid_hbm, wout_hbm,
                  p1v, p2v, w1v, w2v, tidb, wb):
    cid = lax.axis_index("c")
    sid = lax.axis_index("s")

    @pl.when(jnp.logical_and(cid == 0, sid == 0))
    def _work():
        pltpu.sync_copy(p1_hbm, p1v)
        pltpu.sync_copy(p2_hbm, p2v)
        pltpu.sync_copy(w1_hbm, w1v)
        pltpu.sync_copy(w2_hbm, w2v)

        iota = lax.iota(jnp.int32, 16)
        zi = jnp.zeros((16,), jnp.int32)
        zf = jnp.zeros((16,), jnp.float32)

        def _init(i, _):
            base = i * 16
            tidb[pl.ds(base, 16)] = zi
            wb[pl.ds(base, 16)] = zf
            return 0

        lax.fori_loop(0, _M // 16, _init, 0)

        def _scat(n, _):
            base = n * 16
            tid = base + iota
            idx1 = p1v[pl.ds(base, 16)]
            plsc.store_scatter(tidb, [idx1], tid)
            plsc.store_scatter(wb, [idx1], w1v[pl.ds(base, 16)])
            idx2 = p2v[pl.ds(base, 16)]
            plsc.store_scatter(tidb, [idx2], tid)
            plsc.store_scatter(wb, [idx2], w2v[pl.ds(base, 16)])
            return 0

        lax.fori_loop(0, _T // 16, _scat, 0)
        pltpu.sync_copy(tidb, tid_hbm)
        pltpu.sync_copy(wb, wout_hbm)


def _run_scatter(pos1, pos2, w1, w2):
    mesh = plsc.VectorSubcoreMesh(core_axis_name="c", subcore_axis_name="s")
    f = pl.kernel(
        _scatter_body,
        mesh=mesh,
        compiler_params=_SC_PARAMS,
        out_type=[
            jax.ShapeDtypeStruct((_M,), jnp.int32),
            jax.ShapeDtypeStruct((_M,), jnp.float32),
        ],
        scratch_types=[
            pltpu.VMEM((_T,), jnp.int32),
            pltpu.VMEM((_T,), jnp.int32),
            pltpu.VMEM((_T,), jnp.float32),
            pltpu.VMEM((_T,), jnp.float32),
            pltpu.VMEM((_M,), jnp.int32),
            pltpu.VMEM((_M,), jnp.float32),
        ],
    )
    return f(pos1, pos2, w1, w2)


def _gather_body(xb_hbm, tid_hbm, xg_hbm, idx0, idx1, idx2, idx3,
                 idx4, idx5, rows0, rows1, g0, g1, s0, s1):
    wid = lax.axis_index("s") * 2 + lax.axis_index("c")
    base = wid * _ROWS_W
    idxs = (idx0, idx1, idx2, idx3, idx4, idx5)
    rows = (rows0, rows1)
    gsem = (g0, g1)
    ssem = (s0, s1)
    nch = _ROWS_W // _GCHUNK
    for ch in range(nch):
        pltpu.sync_copy(
            tid_hbm.at[pl.ds(base + ch * _GCHUNK, _GCHUNK)], idxs[ch])
    gcp = [None] * nch
    wcp = [None] * nch
    gcp[0] = pltpu.async_copy(xb_hbm.at[idx0], rows0, g0)
    gcp[1] = pltpu.async_copy(xb_hbm.at[idx1], rows1, g1)
    for ch in range(nch):
        b = ch % 2
        gcp[ch].wait()
        wcp[ch] = pltpu.async_copy(
            rows[b], xg_hbm.at[pl.ds(base + ch * _GCHUNK, _GCHUNK)],
            ssem[b])
        if ch + 2 < nch:
            wcp[ch].wait()
            gcp[ch + 2] = pltpu.async_copy(
                xb_hbm.at[idxs[ch + 2]], rows[b], gsem[b])
    wcp[nch - 2].wait()
    wcp[nch - 1].wait()


def _run_gather(xb, tid_sorted):
    mesh = plsc.VectorSubcoreMesh(core_axis_name="c", subcore_axis_name="s")
    f = pl.kernel(
        _gather_body,
        mesh=mesh,
        compiler_params=_SC_PARAMS,
        out_type=jax.ShapeDtypeStruct((_M, _H), jnp.float32),
        scratch_types=[
            pltpu.VMEM((_GCHUNK,), jnp.int32),
            pltpu.VMEM((_GCHUNK,), jnp.int32),
            pltpu.VMEM((_GCHUNK,), jnp.int32),
            pltpu.VMEM((_GCHUNK,), jnp.int32),
            pltpu.VMEM((_GCHUNK,), jnp.int32),
            pltpu.VMEM((_GCHUNK,), jnp.int32),
            pltpu.VMEM((_GCHUNK, _H), jnp.float32),
            pltpu.VMEM((_GCHUNK, _H), jnp.float32),
            pltpu.SemaphoreType.DMA,
            pltpu.SemaphoreType.DMA,
            pltpu.SemaphoreType.DMA,
            pltpu.SemaphoreType.DMA,
        ],
    )
    return f(xb, tid_sorted)


def _gmm_body(se_ref, xg_ref, w_ref, wg_ref, wu_ref, wd_ref, d_ref):
    m = pl.program_id(0)
    f = pl.program_id(1)
    nr = se_ref[_NT]

    @pl.when(m < nr)
    def _compute():
        x = xg_ref[...].astype(jnp.bfloat16)
        g = lax.dot_general(x, wg_ref[0], (((1,), (1,)), ((), ())),
                            preferred_element_type=jnp.float32)
        u = lax.dot_general(x, wu_ref[0], (((1,), (1,)), ((), ())),
                            preferred_element_type=jnp.float32)
        gu = (jax.nn.silu(g) * u * w_ref[...]).astype(jnp.bfloat16)
        d = lax.dot_general(gu, wd_ref[0], (((1,), (1,)), ((), ())),
                            preferred_element_type=jnp.float32)

        @pl.when(f == 0)
        def _set():
            d_ref[...] = d

        @pl.when(f > 0)
        def _acc():
            d_ref[...] += d


def _run_gmm(se, xg, w_sorted, rWg, rWu, rWd):
    grid = (_NT, _F // _F_BLK)
    spec = pltpu.PrefetchScalarGridSpec(
        num_scalar_prefetch=1,
        grid=grid,
        in_specs=[
            pl.BlockSpec((_TILE, _H), lambda m, f, se: (m, 0)),
            pl.BlockSpec((_TILE, 1), lambda m, f, se: (m, 0)),
            pl.BlockSpec((1, _F_BLK, _H), lambda m, f, se: (se[m], f, 0)),
            pl.BlockSpec((1, _F_BLK, _H), lambda m, f, se: (se[m], f, 0)),
            pl.BlockSpec((1, _H, _F_BLK), lambda m, f, se: (se[m], 0, f)),
        ],
        out_specs=pl.BlockSpec((_TILE, _H), lambda m, f, se: (m, 0)),
    )
    return pl.pallas_call(
        _gmm_body,
        grid_spec=spec,
        out_shape=jax.ShapeDtypeStruct((_M, _H), jnp.float32),
        compiler_params=pltpu.CompilerParams(
            dimension_semantics=("arbitrary", "arbitrary"),
        ),
    )(se, xg, w_sorted, rWg, rWu, rWd)


def _shared_body(x_ref, wg_ref, wu_ref, wd_ref, out_ref):
    e = pl.program_id(0)
    f = pl.program_id(1)
    x = x_ref[...]
    g = lax.dot_general(x, wg_ref[0], (((1,), (1,)), ((), ())),
                        preferred_element_type=jnp.float32)
    u = lax.dot_general(x, wu_ref[0], (((1,), (1,)), ((), ())),
                        preferred_element_type=jnp.float32)
    gu = (jax.nn.silu(g) * u * 0.5).astype(jnp.bfloat16)
    d = lax.dot_general(gu, wd_ref[0], (((1,), (1,)), ((), ())),
                        preferred_element_type=jnp.float32)

    @pl.when(jnp.logical_and(e == 0, f == 0))
    def _set():
        out_ref[...] = d

    @pl.when(jnp.logical_or(e > 0, f > 0))
    def _acc():
        out_ref[...] += d


def _run_shared(xb, sWg, sWu, sWd):
    grid = (2, _F // _F_BLK)
    return pl.pallas_call(
        _shared_body,
        grid=grid,
        in_specs=[
            pl.BlockSpec((_T, _H), lambda e, f: (0, 0)),
            pl.BlockSpec((1, _F_BLK, _H), lambda e, f: (e, f, 0)),
            pl.BlockSpec((1, _F_BLK, _H), lambda e, f: (e, f, 0)),
            pl.BlockSpec((1, _H, _F_BLK), lambda e, f: (e, 0, f)),
        ],
        out_specs=pl.BlockSpec((_T, _H), lambda e, f: (0, 0)),
        out_shape=jax.ShapeDtypeStruct((_T, _H), jnp.float32),
        compiler_params=pltpu.CompilerParams(
            dimension_semantics=("arbitrary", "arbitrary"),
        ),
    )(xb, sWg, sWu, sWd)


def _combine_body(d_hbm, ds_hbm, p1_hbm, p2_hbm, out_hbm, p1v, p2v,
                  idx0, idx1, rows0, rows1, dsv0, dsv1, outv0, outv1,
                  g0, g1, l0, l1, s0, s1):
    wid = lax.axis_index("s") * 2 + lax.axis_index("c")
    tb = wid * _TOK_W
    pltpu.sync_copy(p1_hbm.at[pl.ds(tb, _TOK_W)], p1v)
    pltpu.sync_copy(p2_hbm.at[pl.ds(tb, _TOK_W)], p2v)

    idx = (idx0, idx1)
    rows = (rows0, rows1)
    dsv = (dsv0, dsv1)
    outv = (outv0, outv1)
    gsem = (g0, g1)
    lsem = (l0, l1)
    ssem = (s0, s1)
    nch = _TOK_W // _CCHUNK
    gcp = [None] * nch
    lcp = [None] * nch
    scp = [None] * nch

    def _start(ch):
        t0 = ch * _CCHUNK
        b = ch % 2
        idx[b][pl.ds(0, 16)] = p1v[pl.ds(t0, 16)]
        idx[b][pl.ds(16, 16)] = p2v[pl.ds(t0, 16)]
        gcp[ch] = pltpu.async_copy(d_hbm.at[idx[b]], rows[b], gsem[b])
        lcp[ch] = pltpu.async_copy(
            ds_hbm.at[pl.ds(tb + t0, _CCHUNK)], dsv[b], lsem[b])

    _start(0)
    for ch in range(nch):
        b = ch % 2
        gcp[ch].wait()
        lcp[ch].wait()
        if ch + 1 < nch:
            _start(ch + 1)
        if ch >= 2:
            scp[ch - 2].wait()

        def _tok(t, _):
            def _col(c, _):
                cs = c * 16
                acc = (rows[b][t, pl.ds(cs, 16)]
                       + rows[b][16 + t, pl.ds(cs, 16)]
                       + dsv[b][t, pl.ds(cs, 16)])
                outv[b][t, pl.ds(cs, 16)] = acc
                return 0

            lax.fori_loop(0, _H // 16, _col, 0)
            return 0

        lax.fori_loop(0, _CCHUNK, _tok, 0)
        scp[ch] = pltpu.async_copy(
            outv[b], out_hbm.at[pl.ds(tb + ch * _CCHUNK, _CCHUNK)],
            ssem[b])
    scp[nch - 2].wait()
    scp[nch - 1].wait()


def _run_combine(d, ds, pos1, pos2):
    mesh = plsc.VectorSubcoreMesh(core_axis_name="c", subcore_axis_name="s")
    f = pl.kernel(
        _combine_body,
        mesh=mesh,
        compiler_params=_SC_PARAMS,
        out_type=jax.ShapeDtypeStruct((_T, _H), jnp.float32),
        scratch_types=[
            pltpu.VMEM((_TOK_W,), jnp.int32),
            pltpu.VMEM((_TOK_W,), jnp.int32),
            pltpu.VMEM((2 * _CCHUNK,), jnp.int32),
            pltpu.VMEM((2 * _CCHUNK,), jnp.int32),
            pltpu.VMEM((2 * _CCHUNK, _H), jnp.float32),
            pltpu.VMEM((2 * _CCHUNK, _H), jnp.float32),
            pltpu.VMEM((_CCHUNK, _H), jnp.float32),
            pltpu.VMEM((_CCHUNK, _H), jnp.float32),
            pltpu.VMEM((_CCHUNK, _H), jnp.float32),
            pltpu.VMEM((_CCHUNK, _H), jnp.float32),
            pltpu.SemaphoreType.DMA,
            pltpu.SemaphoreType.DMA,
            pltpu.SemaphoreType.DMA,
            pltpu.SemaphoreType.DMA,
            pltpu.SemaphoreType.DMA,
            pltpu.SemaphoreType.DMA,
        ],
    )
    return f(d, ds, pos1, pos2)


@functools.partial(jax.jit, static_argnames=())
def kernel(hidden_states, gate_W, sWg, sWu, sWd, rWg, rWu, rWd):
    b, s, h = hidden_states.shape
    xf = hidden_states.reshape(s, h)
    xb = xf.astype(jnp.bfloat16)

    pos1, pos2, w1, w2, se = _run_router(xf, gate_W)
    pos1 = pos1.reshape(_T)
    pos2 = pos2.reshape(_T)
    tid_sorted, w_sorted = _run_scatter(pos1, pos2, w1.reshape(_T),
                                        w2.reshape(_T))
    xg = _run_gather(xf, tid_sorted)
    ds = _run_shared(xb, sWg.astype(jnp.bfloat16),
                     sWu.astype(jnp.bfloat16), sWd.astype(jnp.bfloat16))
    d = _run_gmm(se.reshape(64), xg, w_sorted.reshape(_M, 1),
                 rWg.astype(jnp.bfloat16), rWu.astype(jnp.bfloat16),
                 rWd.astype(jnp.bfloat16))
    out = _run_combine(d, ds, pos1, pos2)
    return out.reshape(b, s, h)

# --- scband reference (transcript-rebuilt; emitter-appended) ---
"""Pipeline reference for scband-deep-seek-mo-elayer-75101798138194 (READ-ONLY COPY).

The authoritative reference and input builder live on the scoring server;
editing this copy changes nothing except your own understanding.
"""

import jax, jax.numpy as jnp
import numpy as np

HIDDEN = 768
INTER = 1536
N_SHARED = 2
N_ROUTED = 8
TOP_K = 2
SCALE = 1.0
B, S = 1, 2048


def setup_inputs(seed: int = 0) -> dict:
    key = jax.random.key(seed)
    ks = jax.random.split(key, 8)
    x = jax.random.normal(ks[0], (B, S, HIDDEN), dtype=jnp.float32)
    gate_W = jax.random.normal(ks[1], (N_ROUTED, HIDDEN), dtype=jnp.float32) * 0.02
    sWg = jax.random.normal(ks[2], (N_SHARED, INTER, HIDDEN), dtype=jnp.float32) * 0.02
    sWu = jax.random.normal(ks[3], (N_SHARED, INTER, HIDDEN), dtype=jnp.float32) * 0.02
    sWd = jax.random.normal(ks[4], (N_SHARED, HIDDEN, INTER), dtype=jnp.float32) * 0.02
    rWg = jax.random.normal(ks[5], (N_ROUTED, INTER, HIDDEN), dtype=jnp.float32) * 0.02
    rWu = jax.random.normal(ks[6], (N_ROUTED, INTER, HIDDEN), dtype=jnp.float32) * 0.02
    rWd = jax.random.normal(ks[7], (N_ROUTED, HIDDEN, INTER), dtype=jnp.float32) * 0.02
    return {"hidden_states": x, "gate_W": gate_W, "sWg": sWg, "sWu": sWu,
            "sWd": sWd, "rWg": rWg, "rWu": rWu, "rWd": rWd}


def reference(hidden_states, gate_W, sWg, sWu, sWd, rWg, rWu, rWd):
    b, s, h = hidden_states.shape
    x = hidden_states
    # shared experts (always active, averaged)
    shared = jnp.zeros_like(x)
    for i in range(N_SHARED):
        g = jax.nn.silu(jnp.einsum('bsh,fh->bsf', x, sWg[i]))
        u = jnp.einsum('bsh,fh->bsf', x, sWu[i])
        shared = shared + jnp.einsum('bsf,hf->bsh', g * u, sWd[i])
    shared = shared / N_SHARED
    # router
    xf = x.reshape(-1, h)
    router_logits = xf @ gate_W.T
    routing_weights = jax.nn.softmax(router_logits, axis=-1)
    topk_weight, topk_idx = jax.lax.top_k(routing_weights, TOP_K)
    topk_weight = topk_weight / (topk_weight.sum(axis=-1, keepdims=True) + 1e-08)
    topk_weight = topk_weight * SCALE
    # per-token per-expert combine weight (0 for unselected experts) --
    # mathematically identical to the torch masked-dispatch loop
    onehot = jax.nn.one_hot(topk_idx, N_ROUTED, dtype=xf.dtype)  # [T, k, E]
    w = (topk_weight[..., None] * onehot).sum(axis=1)  # [T, E]
    g = jax.nn.silu(jnp.einsum('th,efh->tef', xf, rWg))
    u = jnp.einsum('th,efh->tef', xf, rWu)
    d = jnp.einsum('tef,ehf->teh', g * u, rWd)  # [T, E, H]
    routed = (w[..., None] * d).sum(axis=1).reshape(b, s, h)
    return shared + routed

if __name__ == "__main__":
    import jax
    _d = setup_inputs()
    print(jax.jit(kernel)(*tuple(_d.values())))

</pallas_src>

<mosaic_0001>
#map = affine_map<(d0, d1) -> (0, 0)>
#map1 = affine_map<(d0, d1) -> (0)>
module attributes {stable_mosaic.version = 14 : i64} {
  func.func @_gather_body(%arg0: i32, %arg1: i32, %arg2: memref<2048x768xf32, #tpu.memory_space<hbm>>, %arg3: memref<6144xi32, #tpu.memory_space<hbm>>, %arg4: memref<6144x768xf32, #tpu.memory_space<hbm>>, %arg5: memref<32xi32, #tpu.memory_space<vmem>>, %arg6: memref<32xi32, #tpu.memory_space<vmem>>, %arg7: memref<32xi32, #tpu.memory_space<vmem>>, %arg8: memref<32xi32, #tpu.memory_space<vmem>>, %arg9: memref<32xi32, #tpu.memory_space<vmem>>, %arg10: memref<32xi32, #tpu.memory_space<vmem>>, %arg11: memref<32x768xf32, #tpu.memory_space<vmem>>, %arg12: memref<32x768xf32, #tpu.memory_space<vmem>>, %arg13: memref<!tpu.dma_semaphore, #tpu.memory_space<semaphore_mem>>, %arg14: memref<!tpu.dma_semaphore, #tpu.memory_space<semaphore_mem>>, %arg15: memref<!tpu.dma_semaphore, #tpu.memory_space<semaphore_mem>>, %arg16: memref<!tpu.dma_semaphore, #tpu.memory_space<semaphore_mem>>) attributes {dimension_semantics = [#tpu.dimension_semantics<core_parallel>, #tpu.dimension_semantics<subcore_parallel>], iteration_bounds = array<i64: 2, 16>, scalar_prefetch = 0 : i64, scratch_operands = 12 : i64, tpu.core_type = #tpu.core_type<sc_vector_subcore>, window_params = [{transform_indices = #map}, {transform_indices = #map1}, {transform_indices = #map}]} {
    %mul3A = arith.constant 2 : i32
    %mul3A_0 = arith.muli %arg1, %mul3A : i32
    %add3A = arith.addi %mul3A_0, %arg0 : i32
    %mul3A_1 = arith.constant 192 : i32
    %mul3A_2 = arith.muli %add3A, %mul3A_1 : i32
    %add3A_3 = arith.constant 0 : i32
    %add3A_4 = arith.addi %mul3A_2, %add3A_3 : i32
    "tpu.region"() ({
      %run_scoped3A = tpu.sem_alloc : memref<!tpu.dma_semaphore, #tpu.memory_space<semaphore_mem>>
      %dma_start3A_109 = tpu.memref_slice %arg3[%add3A_4] : memref<6144xi32, #tpu.memory_space<hbm>> -> memref<32xi32, #tpu.memory_space<hbm>>
      %dma_start3A_110 = tpu.memref_slice %arg3[%add3A_4] : memref<6144xi32, #tpu.memory_space<hbm>> -> memref<32xi32, #tpu.memory_space<hbm>>
      tpu.enqueue_dma source(%dma_start3A_110 : memref<32xi32, #tpu.memory_space<hbm>>) target(%arg5 : memref<32xi32, #tpu.memory_space<vmem>>) target_semaphore(%run_scoped3A : memref<!tpu.dma_semaphore, #tpu.memory_space<semaphore_mem>>)
      %dma_wait3A_111 = tpu.memref_slice %arg3[%add3A_4] : memref<6144xi32, #tpu.memory_space<hbm>> -> memref<32xi32, #tpu.memory_space<hbm>>
      %dma_wait3A_112 = tpu.memref_slice %arg3[%add3A_4] : memref<6144xi32, #tpu.memory_space<hbm>> -> memref<32xi32, #tpu.memory_space<hbm>>
      tpu.wait_dma2 semaphore(%run_scoped3A : memref<!tpu.dma_semaphore, #tpu.memory_space<semaphore_mem>>) src(%dma_wait3A_112 : memref<32xi32, #tpu.memory_space<hbm>>) dst(%arg5 : memref<32xi32, #tpu.memory_space<vmem>>)
      tpu.yield
    }) : () -> ()
    %add3A_5 = arith.constant 32 : i32
    %add3A_6 = arith.addi %mul3A_2, %add3A_5 : i32
    "tpu.region"() ({
      %run_scoped3A = tpu.sem_alloc : memref<!tpu.dma_semaphore, #tpu.memory_space<semaphore_mem>>
      %dma_start3A_109 = tpu.memref_slice %arg3[%add3A_6] : memref<6144xi32, #tpu.memory_space<hbm>> -> memref<32xi32, #tpu.memory_space<hbm>>
      %dma_start3A_110 = tpu.memref_slice %arg3[%add3A_6] : memref<6144xi32, #tpu.memory_space<hbm>> -> memref<32xi32, #tpu.memory_space<hbm>>
      tpu.enqueue_dma source(%dma_start3A_110 : memref<32xi32, #tpu.memory_space<hbm>>) target(%arg6 : memref<32xi32, #tpu.memory_space<vmem>>) target_semaphore(%run_scoped3A : memref<!tpu.dma_semaphore, #tpu.memory_space<semaphore_mem>>)
      %dma_wait3A_111 = tpu.memref_slice %arg3[%add3A_6] : memref<6144xi32, #tpu.memory_space<hbm>> -> memref<32xi32, #tpu.memory_space<hbm>>
      %dma_wait3A_112 = tpu.memref_slice %arg3[%add3A_6] : memref<6144xi32, #tpu.memory_space<hbm>> -> memref<32xi32, #tpu.memory_space<hbm>>
      tpu.wait_dma2 semaphore(%run_scoped3A : memref<!tpu.dma_semaphore, #tpu.memory_space<semaphore_mem>>) src(%dma_wait3A_112 : memref<32xi32, #tpu.memory_space<hbm>>) dst(%arg6 : memref<32xi32, #tpu.memory_space<vmem>>)
      tpu.yield
    }) : () -> ()
    %add3A_7 = arith.constant 64 : i32
    %add3A_8 = arith.addi %mul3A_2, %add3A_7 : i32
    "tpu.region"() ({
      %run_scoped3A = tpu.sem_alloc : memref<!tpu.dma_semaphore, #tpu.memory_space<semaphore_mem>>
      %dma_start3A_109 = tpu.memref_slice %arg3[%add3A_8] : memref<6144xi32, #tpu.memory_space<hbm>> -> memref<32xi32, #tpu.memory_space<hbm>>
      %dma_start3A_110 = tpu.memref_slice %arg3[%add3A_8] : memref<6144xi32, #tpu.memory_space<hbm>> -> memref<32xi32, #tpu.memory_space<hbm>>
      tpu.enqueue_dma source(%dma_start3A_110 : memref<32xi32, #tpu.memory_space<hbm>>) target(%arg7 : memref<32xi32, #tpu.memory_space<vmem>>) target_semaphore(%run_scoped3A : memref<!tpu.dma_semaphore, #tpu.memory_space<semaphore_mem>>)
      %dma_wait3A_111 = tpu.memref_slice %arg3[%add3A_8] : memref<6144xi32, #tpu.memory_space<hbm>> -> memref<32xi32, #tpu.memory_space<hbm>>
      %dma_wait3A_112 = tpu.memref_slice %arg3[%add3A_8] : memref<6144xi32, #tpu.memory_space<hbm>> -> memref<32xi32, #tpu.memory_space<hbm>>
      tpu.wait_dma2 semaphore(%run_scoped3A : memref<!tpu.dma_semaphore, #tpu.memory_space<semaphore_mem>>) src(%dma_wait3A_112 : memref<32xi32, #tpu.memory_space<hbm>>) dst(%arg7 : memref<32xi32, #tpu.memory_space<vmem>>)
      tpu.yield
    }) : () -> ()
    %add3A_9 = arith.constant 96 : i32
    %add3A_10 = arith.addi %mul3A_2, %add3A_9 : i32
    "tpu.region"() ({
      %run_scoped3A = tpu.sem_alloc : memref<!tpu.dma_semaphore, #tpu.memory_space<semaphore_mem>>
      %dma_start3A_109 = tpu.memref_slice %arg3[%add3A_10] : memref<6144xi32, #tpu.memory_space<hbm>> -> memref<32xi32, #tpu.memory_space<hbm>>
      %dma_start3A_110 = tpu.memref_slice %arg3[%add3A_10] : memref<6144xi32, #tpu.memory_space<hbm>> -> memref<32xi32, #tpu.memory_space<hbm>>
      tpu.enqueue_dma source(%dma_start3A_110 : memref<32xi32, #tpu.memory_space<hbm>>) target(%arg8 : memref<32xi32, #tpu.memory_space<vmem>>) target_semaphore(%run_scoped3A : memref<!tpu.dma_semaphore, #tpu.memory_space<semaphore_mem>>)
      %dma_wait3A_111 = tpu.memref_slice %arg3[%add3A_10] : memref<6144xi32, #tpu.memory_space<hbm>> -> memref<32xi32, #tpu.memory_space<hbm>>
      %dma_wait3A_112 = tpu.memref_slice %arg3[%add3A_10] : memref<6144xi32, #tpu.memory_space<hbm>> -> memref<32xi32, #tpu.memory_space<hbm>>
      tpu.wait_dma2 semaphore(%run_scoped3A : memref<!tpu.dma_semaphore, #tpu.memory_space<semaphore_mem>>) src(%dma_wait3A_112 : memref<32xi32, #tpu.memory_space<hbm>>) dst(%arg8 : memref<32xi32, #tpu.memory_space<vmem>>)
      tpu.yield
    }) : () -> ()
    %add3A_11 = arith.constant 128 : i32
    %add3A_12 = arith.addi %mul3A_2, %add3A_11 : i32
    "tpu.region"() ({
      %run_scoped3A = tpu.sem_alloc : memref<!tpu.dma_semaphore, #tpu.memory_space<semaphore_mem>>
      %dma_start3A_109 = tpu.memref_slice %arg3[%add3A_12] : memref<6144xi32, #tpu.memory_space<hbm>> -> memref<32xi32, #tpu.memory_space<hbm>>
      %dma_start3A_110 = tpu.memref_slice %arg3[%add3A_12] : memref<6144xi32, #tpu.memory_space<hbm>> -> memref<32xi32, #tpu.memory_space<hbm>>
      tpu.enqueue_dma source(%dma_start3A_110 : memref<32xi32, #tpu.memory_space<hbm>>) target(%arg9 : memref<32xi32, #tpu.memory_space<vmem>>) target_semaphore(%run_scoped3A : memref<!tpu.dma_semaphore, #tpu.memory_space<semaphore_mem>>)
      %dma_wait3A_111 = tpu.memref_slice %arg3[%add3A_12] : memref<6144xi32, #tpu.memory_space<hbm>> -> memref<32xi32, #tpu.memory_space<hbm>>
      %dma_wait3A_112 = tpu.memref_slice %arg3[%add3A_12] : memref<6144xi32, #tpu.memory_space<hbm>> -> memref<32xi32, #tpu.memory_space<hbm>>
      tpu.wait_dma2 semaphore(%run_scoped3A : memref<!tpu.dma_semaphore, #tpu.memory_space<semaphore_mem>>) src(%dma_wait3A_112 : memref<32xi32, #tpu.memory_space<hbm>>) dst(%arg9 : memref<32xi32, #tpu.memory_space<vmem>>)
      tpu.yield
    }) : () -> ()
    %add3A_13 = arith.constant 160 : i32
    %add3A_14 = arith.addi %mul3A_2, %add3A_13 : i32
    "tpu.region"() ({
      %run_scoped3A = tpu.sem_alloc : memref<!tpu.dma_semaphore, #tpu.memory_space<semaphore_mem>>
      %dma_start3A_109 = tpu.memref_slice %arg3[%add3A_14] : memref<6144xi32, #tpu.memory_space<hbm>> -> memref<32xi32, #tpu.memory_space<hbm>>
      %dma_start3A_110 = tpu.memref_slice %arg3[%add3A_14] : memref<6144xi32, #tpu.memory_space<hbm>> -> memref<32xi32, #tpu.memory_space<hbm>>
      tpu.enqueue_dma source(%dma_start3A_110 : memref<32xi32, #tpu.memory_space<hbm>>) target(%arg10 : memref<32xi32, #tpu.memory_space<vmem>>) target_semaphore(%run_scoped3A : memref<!tpu.dma_semaphore, #tpu.memory_space<semaphore_mem>>)
      %dma_wait3A_111 = tpu.memref_slice %arg3[%add3A_14] : memref<6144xi32, #tpu.memory_space<hbm>> -> memref<32xi32, #tpu.memory_space<hbm>>
      %dma_wait3A_112 = tpu.memref_slice %arg3[%add3A_14] : memref<6144xi32, #tpu.memory_space<hbm>> -> memref<32xi32, #tpu.memory_space<hbm>>
      tpu.wait_dma2 semaphore(%run_scoped3A : memref<!tpu.dma_semaphore, #tpu.memory_space<semaphore_mem>>) src(%dma_wait3A_112 : memref<32xi32, #tpu.memory_space<hbm>>) dst(%arg10 : memref<32xi32, #tpu.memory_space<vmem>>)
      tpu.yield
    }) : () -> ()
    %dma_start3A = arith.constant 0 : i32
    %dma_start3A_15 = arith.constant 0 : i32
    %dma_start3A_16 = tpu.memref_slice %arg2[%dma_start3A, %dma_start3A_15] : memref<2048x768xf32, #tpu.memory_space<hbm>> -> memref<2048x768xf32, #tpu.memory_space<hbm>>
    tpu.enqueue_indirect_dma source(%dma_start3A_16 : memref<2048x768xf32, #tpu.memory_space<hbm>>) target(%arg11 : memref<32x768xf32, #tpu.memory_space<vmem>>) offsets(%arg5 : memref<32xi32, #tpu.memory_space<vmem>>) semaphore(%arg13 : memref<!tpu.dma_semaphore, #tpu.memory_space<semaphore_mem>>)
    %dma_start3A_17 = arith.constant 0 : i32
    %dma_start3A_18 = arith.constant 0 : i32
    %dma_start3A_19 = tpu.memref_slice %arg2[%dma_start3A_17, %dma_start3A_18] : memref<2048x768xf32, #tpu.memory_space<hbm>> -> memref<2048x768xf32, #tpu.memory_space<hbm>>
    tpu.enqueue_indirect_dma source(%dma_start3A_19 : memref<2048x768xf32, #tpu.memory_space<hbm>>) target(%arg12 : memref<32x768xf32, #tpu.memory_space<vmem>>) offsets(%arg6 : memref<32xi32, #tpu.memory_space<vmem>>) semaphore(%arg14 : memref<!tpu.dma_semaphore, #tpu.memory_space<semaphore_mem>>)
    %dma_wait3A = arith.constant 0 : i32
    %dma_wait3A_20 = arith.constant 0 : i32
    %dma_wait3A_21 = tpu.memref_slice %arg2[%dma_wait3A, %dma_wait3A_20] : memref<2048x768xf32, #tpu.memory_space<hbm>> -> memref<2048x768xf32, #tpu.memory_space<hbm>>
    tpu.wait_indirect_dma semaphore(%arg13 : memref<!tpu.dma_semaphore, #tpu.memory_space<semaphore_mem>>) src(%dma_wait3A_21 : memref<2048x768xf32, #tpu.memory_space<hbm>>) dst(%arg11 : memref<32x768xf32, #tpu.memory_space<vmem>>)
    %add3A_22 = arith.constant 0 : i32
    %add3A_23 = arith.addi %mul3A_2, %add3A_22 : i32
    %dma_start3A_24 = arith.constant 0 : i32
    %dma_start3A_25 = tpu.memref_slice %arg4[%add3A_23, %dma_start3A_24] : memref<6144x768xf32, #tpu.memory_space<hbm>> -> memref<32x768xf32, #tpu.memory_space<hbm>>
    %dma_start3A_26 = arith.constant 0 : i32
    %dma_start3A_27 = tpu.memref_slice %arg4[%add3A_23, %dma_start3A_26] : memref<6144x768xf32, #tpu.memory_space<hbm>> -> memref<32x768xf32, #tpu.memory_space<hbm>>
    tpu.enqueue_dma source(%arg11 : memref<32x768xf32, #tpu.memory_space<vmem>>) target(%dma_start3A_27 : memref<32x768xf32, #tpu.memory_space<hbm>>) target_semaphore(%arg15 : memref<!tpu.dma_semaphore, #tpu.memory_space<semaphore_mem>>)
    %dma_wait3A_28 = arith.constant 0 : i32
    %dma_wait3A_29 = tpu.memref_slice %arg4[%add3A_23, %dma_wait3A_28] : memref<6144x768xf32, #tpu.memory_space<hbm>> -> memref<32x768xf32, #tpu.memory_space<hbm>>
    %dma_wait3A_30 = arith.constant 0 : i32
    %dma_wait3A_31 = tpu.memref_slice %arg4[%add3A_23, %dma_wait3A_30] : memref<6144x768xf32, #tpu.memory_space<hbm>> -> memref<32x768xf32, #tpu.memory_space<hbm>>
    tpu.wait_dma2 semaphore(%arg15 : memref<!tpu.dma_semaphore, #tpu.memory_space<semaphore_mem>>) src(%arg11 : memref<32x768xf32, #tpu.memory_space<vmem>>) dst(%dma_wait3A_31 : memref<32x768xf32, #tpu.memory_space<hbm>>)
    %dma_start3A_32 = arith.constant 0 : i32
    %dma_start3A_33 = arith.constant 0 : i32
    %dma_start3A_34 = tpu.memref_slice %arg2[%dma_start3A_32, %dma_start3A_33] : memref<2048x768xf32, #tpu.memory_space<hbm>> -> memref<2048x768xf32, #tpu.memory_space<hbm>>
    tpu.enqueue_indirect_dma source(%dma_start3A_34 : memref<2048x768xf32, #tpu.memory_space<hbm>>) target(%arg11 : memref<32x768xf32, #tpu.memory_space<vmem>>) offsets(%arg7 : memref<32xi32, #tpu.memory_space<vmem>>) semaphore(%arg13 : memref<!tpu.dma_semaphore, #tpu.memory_space<semaphore_mem>>)
    %dma_wait3A_35 = arith.constant 0 : i32
    %dma_wait3A_36 = arith.constant 0 : i32
    %dma_wait3A_37 = tpu.memref_slice %arg2[%dma_wait3A_35, %dma_wait3A_36] : memref<2048x768xf32, #tpu.memory_space<hbm>> -> memref<2048x768xf32, #tpu.memory_space<hbm>>
    tpu.wait_indirect_dma semaphore(%arg14 : memref<!tpu.dma_semaphore, #tpu.memory_space<semaphore_mem>>) src(%dma_wait3A_37 : memref<2048x768xf32, #tpu.memory_space<hbm>>) dst(%arg12 : memref<32x768xf32, #tpu.memory_space<vmem>>)
    %add3A_38 = arith.constant 32 : i32
    %add3A_39 = arith.addi %mul3A_2, %add3A_38 : i32
    %dma_start3A_40 = arith.constant 0 : i32
    %dma_start3A_41 = tpu.memref_slice %arg4[%add3A_39, %dma_start3A_40] : memref<6144x768xf32, #tpu.memory_space<hbm>> -> memref<32x768xf32, #tpu.memory_space<hbm>>
    %dma_start3A_42 = arith.constant 0 : i32
    %dma_start3A_43 = tpu.memref_slice %arg4[%add3A_39, %dma_start3A_42] : memref<6144x768xf32, #tpu.memory_space<hbm>> -> memref<32x768xf32, #tpu.memory_space<hbm>>
    tpu.enqueue_dma source(%arg12 : memref<32x768xf32, #tpu.memory_space<vmem>>) target(%dma_start3A_43 : memref<32x768xf32, #tpu.memory_space<hbm>>) target_semaphore(%arg16 : memref<!tpu.dma_semaphore, #tpu.memory_space<semaphore_mem>>)
    %dma_wait3A_44 = arith.constant 0 : i32
    %dma_wait3A_45 = tpu.memref_slice %arg4[%add3A_39, %dma_wait3A_44] : memref<6144x768xf32, #tpu.memory_space<hbm>> -> memref<32x768xf32, #tpu.memory_space<hbm>>
    %dma_wait3A_46 = arith.constant 0 : i32
    %dma_wait3A_47 = tpu.memref_slice %arg4[%add3A_39, %dma_wait3A_46] : memref<6144x768xf32, #tpu.memory_space<hbm>> -> memref<32x768xf32, #tpu.memory_space<hbm>>
    tpu.wait_dma2 semaphore(%arg16 : memref<!tpu.dma_semaphore, #tpu.memory_space<semaphore_mem>>) src(%arg12 : memref<32x768xf32, #tpu.memory_space<vmem>>) dst(%dma_wait3A_47 : memref<32x768xf32, #tpu.memory_space<hbm>>)
    %dma_start3A_48 = arith.constant 0 : i32
    %dma_start3A_49 = arith.constant 0 : i32
    %dma_start3A_50 = tpu.memref_slice %arg2[%dma_start3A_48, %dma_start3A_49] : memref<2048x768xf32, #tpu.memory_space<hbm>> -> memref<2048x768xf32, #tpu.memory_space<hbm>>
    tpu.enqueue_indirect_dma source(%dma_start3A_50 : memref<2048x768xf32, #tpu.memory_space<hbm>>) target(%arg12 : memref<32x768xf32, #tpu.memory_space<vmem>>) offsets(%arg8 : memref<32xi32, #tpu.memory_space<vmem>>) semaphore(%arg14 : memref<!tpu.dma_semaphore, #tpu.memory_space<semaphore_mem>>)
    %dma_wait3A_51 = arith.constant 0 : i32
    %dma_wait3A_52 = arith.constant 0 : i32
    %dma_wait3A_53 = tpu.memref_slice %arg2[%dma_wait3A_51, %dma_wait3A_52] : memref<2048x768xf32, #tpu.memory_space<hbm>> -> memref<2048x768xf32, #tpu.memory_space<hbm>>
    tpu.wait_indirect_dma semaphore(%arg13 : memref<!tpu.dma_semaphore, #tpu.memory_space<semaphore_mem>>) src(%dma_wait3A_53 : memref<2048x768xf32, #tpu.memory_space<hbm>>) dst(%arg11 : memref<32x768xf32, #tpu.memory_space<vmem>>)
    %add3A_54 = arith.constant 64 : i32
    %add3A_55 = arith.addi %mul3A_2, %add3A_54 : i32
    %dma_start3A_56 = arith.constant 0 : i32
    %dma_start3A_57 = tpu.memref_slice %arg4[%add3A_55, %dma_start3A_56] : memref<6144x768xf32, #tpu.memory_space<hbm>> -> memref<32x768xf32, #tpu.memory_space<hbm>>
    %dma_start3A_58 = arith.constant 0 : i32
    %dma_start3A_59 = tpu.memref_slice %arg4[%add3A_55, %dma_start3A_58] : memref<6144x768xf32, #tpu.memory_space<hbm>> -> memref<32x768xf32, #tpu.memory_space<hbm>>
    tpu.enqueue_dma source(%arg11 : memref<32x768xf32, #tpu.memory_space<vmem>>) target(%dma_start3A_59 : memref<32x768xf32, #tpu.memory_space<hbm>>) target_semaphore(%arg15 : memref<!tpu.dma_semaphore, #tpu.memory_space<semaphore_mem>>)
    %dma_wait3A_60 = arith.constant 0 : i32
    %dma_wait3A_61 = tpu.memref_slice %arg4[%add3A_55, %dma_wait3A_60] : memref<6144x768xf32, #tpu.memory_space<hbm>> -> memref<32x768xf32, #tpu.memory_space<hbm>>
    %dma_wait3A_62 = arith.constant 0 : i32
    %dma_wait3A_63 = tpu.memref_slice %arg4[%add3A_55, %dma_wait3A_62] : memref<6144x768xf32, #tpu.memory_space<hbm>> -> memref<32x768xf32, #tpu.memory_space<hbm>>
    tpu.wait_dma2 semaphore(%arg15 : memref<!tpu.dma_semaphore, #tpu.memory_space<semaphore_mem>>) src(%arg11 : memref<32x768xf32, #tpu.memory_space<vmem>>) dst(%dma_wait3A_63 : memref<32x768xf32, #tpu.memory_space<hbm>>)
    %dma_start3A_64 = arith.constant 0 : i32
    %dma_start3A_65 = arith.constant 0 : i32
    %dma_start3A_66 = tpu.memref_slice %arg2[%dma_start3A_64, %dma_start3A_65] : memref<2048x768xf32, #tpu.memory_space<hbm>> -> memref<2048x768xf32, #tpu.memory_space<hbm>>
    tpu.enqueue_indirect_dma source(%dma_start3A_66 : memref<2048x768xf32, #tpu.memory_space<hbm>>) target(%arg11 : memref<32x768xf32, #tpu.memory_space<vmem>>) offsets(%arg9 : memref<32xi32, #tpu.memory_space<vmem>>) semaphore(%arg13 : memref<!tpu.dma_semaphore, #tpu.memory_space<semaphore_mem>>)
    %dma_wait3A_67 = arith.constant 0 : i32
    %dma_wait3A_68 = arith.constant 0 : i32
    %dma_wait3A_69 = tpu.memref_slice %arg2[%dma_wait3A_67, %dma_wait3A_68] : memref<2048x768xf32, #tpu.memory_space<hbm>> -> memref<2048x768xf32, #tpu.memory_space<hbm>>
    tpu.wait_indirect_dma semaphore(%arg14 : memref<!tpu.dma_semaphore, #tpu.memory_space<semaphore_mem>>) src(%dma_wait3A_69 : memref<2048x768xf32, #tpu.memory_space<hbm>>) dst(%arg12 : memref<32x768xf32, #tpu.memory_space<vmem>>)
    %add3A_70 = arith.constant 96 : i32
    %add3A_71 = arith.addi %mul3A_2, %add3A_70 : i32
    %dma_start3A_72 = arith.constant 0 : i32
    %dma_start3A_73 = tpu.memref_slice %arg4[%add3A_71, %dma_start3A_72] : memref<6144x768xf32, #tpu.memory_space<hbm>> -> memref<32x768xf32, #tpu.memory_space<hbm>>
    %dma_start3A_74 = arith.constant 0 : i32
    %dma_start3A_75 = tpu.memref_slice %arg4[%add3A_71, %dma_start3A_74] : memref<6144x768xf32, #tpu.memory_space<hbm>> -> memref<32x768xf32, #tpu.memory_space<hbm>>
    tpu.enqueue_dma source(%arg12 : memref<32x768xf32, #tpu.memory_space<vmem>>) target(%dma_start3A_75 : memref<32x768xf32, #tpu.memory_space<hbm>>) target_semaphore(%arg16 : memref<!tpu.dma_semaphore, #tpu.memory_space<semaphore_mem>>)
    %dma_wait3A_76 = arith.constant 0 : i32
    %dma_wait3A_77 = tpu.memref_slice %arg4[%add3A_71, %dma_wait3A_76] : memref<6144x768xf32, #tpu.memory_space<hbm>> -> memref<32x768xf32, #tpu.memory_space<hbm>>
    %dma_wait3A_78 = arith.constant 0 : i32
    %dma_wait3A_79 = tpu.memref_slice %arg4[%add3A_71, %dma_wait3A_78] : memref<6144x768xf32, #tpu.memory_space<hbm>> -> memref<32x768xf32, #tpu.memory_space<hbm>>
    tpu.wait_dma2 semaphore(%arg16 : memref<!tpu.dma_semaphore, #tpu.memory_space<semaphore_mem>>) src(%arg12 : memref<32x768xf32, #tpu.memory_space<vmem>>) dst(%dma_wait3A_79 : memref<32x768xf32, #tpu.memory_space<hbm>>)
    %dma_start3A_80 = arith.constant 0 : i32
    %dma_start3A_81 = arith.constant 0 : i32
    %dma_start3A_82 = tpu.memref_slice %arg2[%dma_start3A_80, %dma_start3A_81] : memref<2048x768xf32, #tpu.memory_space<hbm>> -> memref<2048x768xf32, #tpu.memory_space<hbm>>
    tpu.enqueue_indirect_dma source(%dma_start3A_82 : memref<2048x768xf32, #tpu.memory_space<hbm>>) target(%arg12 : memref<32x768xf32, #tpu.memory_space<vmem>>) offsets(%arg10 : memref<32xi32, #tpu.memory_space<vmem>>) semaphore(%arg14 : memref<!tpu.dma_semaphore, #tpu.memory_space<semaphore_mem>>)
    %dma_wait3A_83 = arith.constant 0 : i32
    %dma_wait3A_84 = arith.constant 0 : i32
    %dma_wait3A_85 = tpu.memref_slice %arg2[%dma_wait3A_83, %dma_wait3A_84] : memref<2048x768xf32, #tpu.memory_space<hbm>> -> memref<2048x768xf32, #tpu.memory_space<hbm>>
    tpu.wait_indirect_dma semaphore(%arg13 : memref<!tpu.dma_semaphore, #tpu.memory_space<semaphore_mem>>) src(%dma_wait3A_85 : memref<2048x768xf32, #tpu.memory_space<hbm>>) dst(%arg11 : memref<32x768xf32, #tpu.memory_space<vmem>>)
    %add3A_86 = arith.constant 128 : i32
    %add3A_87 = arith.addi %mul3A_2, %add3A_86 : i32
    %dma_start3A_88 = arith.constant 0 : i32
    %dma_start3A_89 = tpu.memref_slice %arg4[%add3A_87, %dma_start3A_88] : memref<6144x768xf32, #tpu.memory_space<hbm>> -> memref<32x768xf32, #tpu.memory_space<hbm>>
    %dma_start3A_90 = arith.constant 0 : i32
    %dma_start3A_91 = tpu.memref_slice %arg4[%add3A_87, %dma_start3A_90] : memref<6144x768xf32, #tpu.memory_space<hbm>> -> memref<32x768xf32, #tpu.memory_space<hbm>>
    tpu.enqueue_dma source(%arg11 : memref<32x768xf32, #tpu.memory_space<vmem>>) target(%dma_start3A_91 : memref<32x768xf32, #tpu.memory_space<hbm>>) target_semaphore(%arg15 : memref<!tpu.dma_semaphore, #tpu.memory_space<semaphore_mem>>)
    %dma_wait3A_92 = arith.constant 0 : i32
    %dma_wait3A_93 = arith.constant 0 : i32
    %dma_wait3A_94 = tpu.memref_slice %arg2[%dma_wait3A_92, %dma_wait3A_93] : memref<2048x768xf32, #tpu.memory_space<hbm>> -> memref<2048x768xf32, #tpu.memory_space<hbm>>
    tpu.wait_indirect_dma semaphore(%arg14 : memref<!tpu.dma_semaphore, #tpu.memory_space<semaphore_mem>>) src(%dma_wait3A_94 : memref<2048x768xf32, #tpu.memory_space<hbm>>) dst(%arg12 : memref<32x768xf32, #tpu.memory_space<vmem>>)
    %add3A_95 = arith.constant 160 : i32
    %add3A_96 = arith.addi %mul3A_2, %add3A_95 : i32
    %dma_start3A_97 = arith.constant 0 : i32
    %dma_start3A_98 = tpu.memref_slice %arg4[%add3A_96, %dma_start3A_97] : memref<6144x768xf32, #tpu.memory_space<hbm>> -> memref<32x768xf32, #tpu.memory_space<hbm>>
    %dma_start3A_99 = arith.constant 0 : i32
    %dma_start3A_100 = tpu.memref_slice %arg4[%add3A_96, %dma_start3A_99] : memref<6144x768xf32, #tpu.memory_space<hbm>> -> memref<32x768xf32, #tpu.memory_space<hbm>>
    tpu.enqueue_dma source(%arg12 : memref<32x768xf32, #tpu.memory_space<vmem>>) target(%dma_start3A_100 : memref<32x768xf32, #tpu.memory_space<hbm>>) target_semaphore(%arg16 : memref<!tpu.dma_semaphore, #tpu.memory_space<semaphore_mem>>)
    %dma_wait3A_101 = arith.constant 0 : i32
    %dma_wait3A_102 = tpu.memref_slice %arg4[%add3A_87, %dma_wait3A_101] : memref<6144x768xf32, #tpu.memory_space<hbm>> -> memref<32x768xf32, #tpu.memory_space<hbm>>
    %dma_wait3A_103 = arith.constant 0 : i32
    %dma_wait3A_104 = tpu.memref_slice %arg4[%add3A_87, %dma_wait3A_103] : memref<6144x768xf32, #tpu.memory_space<hbm>> -> memref<32x768xf32, #tpu.memory_space<hbm>>
    tpu.wait_dma2 semaphore(%arg15 : memref<!tpu.dma_semaphore, #tpu.memory_space<semaphore_mem>>) src(%arg11 : memref<32x768xf32, #tpu.memory_space<vmem>>) dst(%dma_wait3A_104 : memref<32x768xf32, #tpu.memory_space<hbm>>)
    %dma_wait3A_105 = arith.constant 0 : i32
    %dma_wait3A_106 = tpu.memref_slice %arg4[%add3A_96, %dma_wait3A_105] : memref<6144x768xf32, #tpu.memory_space<hbm>> -> memref<32x768xf32, #tpu.memory_space<hbm>>
    %dma_wait3A_107 = arith.constant 0 : i32
    %dma_wait3A_108 = tpu.memref_slice %arg4[%add3A_96, %dma_wait3A_107] : memref<6144x768xf32, #tpu.memory_space<hbm>> -> memref<32x768xf32, #tpu.memory_space<hbm>>
    tpu.wait_dma2 semaphore(%arg16 : memref<!tpu.dma_semaphore, #tpu.memory_space<semaphore_mem>>) src(%arg12 : memref<32x768xf32, #tpu.memory_space<vmem>>) dst(%dma_wait3A_108 : memref<32x768xf32, #tpu.memory_space<hbm>>)
    return
  }
}

#map = affine_map<(d0, d1) -> (0, 0)>
#map1 = affine_map<(d0, d1) -> (0)>
module attributes {stable_mosaic.version = 14 : i64} {
  func.func @_combine_body(%arg0: i32, %arg1: i32, %arg2: memref<6144x768xf32, #tpu.memory_space<hbm>>, %arg3: memref<2048x768xf32, #tpu.memory_space<hbm>>, %arg4: memref<2048xi32, #tpu.memory_space<hbm>>, %arg5: memref<2048xi32, #tpu.memory_space<hbm>>, %arg6: memref<2048x768xf32, #tpu.memory_space<hbm>>, %arg7: memref<64xi32, #tpu.memory_space<vmem>>, %arg8: memref<64xi32, #tpu.memory_space<vmem>>, %arg9: memref<32xi32, #tpu.memory_space<vmem>>, %arg10: memref<32xi32, #tpu.memory_space<vmem>>, %arg11: memref<32x768xf32, #tpu.memory_space<vmem>>, %arg12: memref<32x768xf32, #tpu.memory_space<vmem>>, %arg13: memref<16x768xf32, #tpu.memory_space<vmem>>, %arg14: memref<16x768xf32, #tpu.memory_space<vmem>>, %arg15: memref<16x768xf32, #tpu.memory_space<vmem>>, %arg16: memref<16x768xf32, #tpu.memory_space<vmem>>, %arg17: memref<!tpu.dma_semaphore, #tpu.memory_space<semaphore_mem>>, %arg18: memref<!tpu.dma_semaphore, #tpu.memory_space<semaphore_mem>>, %arg19: memref<!tpu.dma_semaphore, #tpu.memory_space<semaphore_mem>>, %arg20: memref<!tpu.dma_semaphore, #tpu.memory_space<semaphore_mem>>, %arg21: memref<!tpu.dma_semaphore, #tpu.memory_space<semaphore_mem>>, %arg22: memref<!tpu.dma_semaphore, #tpu.memory_space<semaphore_mem>>) attributes {dimension_semantics = [#tpu.dimension_semantics<core_parallel>, #tpu.dimension_semantics<subcore_parallel>], iteration_bounds = array<i64: 2, 16>, scalar_prefetch = 0 : i64, scratch_operands = 16 : i64, tpu.core_type = #tpu.core_type<sc_vector_subcore>, window_params = [{transform_indices = #map}, {transform_indices = #map}, {transform_indices = #map1}, {transform_indices = #map1}, {transform_indices = #map}]} {
    %mul3A = arith.constant 2 : i32
    %mul3A_0 = arith.muli %arg1, %mul3A : i32
    %add3A = arith.addi %mul3A_0, %arg0 : i32
    %mul3A_1 = arith.constant 64 : i32
    %mul3A_2 = arith.muli %add3A, %mul3A_1 : i32
    "tpu.region"() ({
      %run_scoped3A = tpu.sem_alloc : memref<!tpu.dma_semaphore, #tpu.memory_space<semaphore_mem>>
      %dma_start3A_162 = tpu.memref_slice %arg4[%mul3A_2] : memref<2048xi32, #tpu.memory_space<hbm>> -> memref<64xi32, #tpu.memory_space<hbm>>
      %dma_start3A_163 = tpu.memref_slice %arg4[%mul3A_2] : memref<2048xi32, #tpu.memory_space<hbm>> -> memref<64xi32, #tpu.memory_space<hbm>>
      tpu.enqueue_dma source(%dma_start3A_163 : memref<64xi32, #tpu.memory_space<hbm>>) target(%arg7 : memref<64xi32, #tpu.memory_space<vmem>>) target_semaphore(%run_scoped3A : memref<!tpu.dma_semaphore, #tpu.memory_space<semaphore_mem>>)
      %dma_wait3A_164 = tpu.memref_slice %arg4[%mul3A_2] : memref<2048xi32, #tpu.memory_space<hbm>> -> memref<64xi32, #tpu.memory_space<hbm>>
      %dma_wait3A_165 = tpu.memref_slice %arg4[%mul3A_2] : memref<2048xi32, #tpu.memory_space<hbm>> -> memref<64xi32, #tpu.memory_space<hbm>>
      tpu.wait_dma2 semaphore(%run_scoped3A : memref<!tpu.dma_semaphore, #tpu.memory_space<semaphore_mem>>) src(%dma_wait3A_165 : memref<64xi32, #tpu.memory_space<hbm>>) dst(%arg7 : memref<64xi32, #tpu.memory_space<vmem>>)
      tpu.yield
    }) : () -> ()
    "tpu.region"() ({
      %run_scoped3A = tpu.sem_alloc : memref<!tpu.dma_semaphore, #tpu.memory_space<semaphore_mem>>
      %dma_start3A_162 = tpu.memref_slice %arg5[%mul3A_2] : memref<2048xi32, #tpu.memory_space<hbm>> -> memref<64xi32, #tpu.memory_space<hbm>>
      %dma_start3A_163 = tpu.memref_slice %arg5[%mul3A_2] : memref<2048xi32, #tpu.memory_space<hbm>> -> memref<64xi32, #tpu.memory_space<hbm>>
      tpu.enqueue_dma source(%dma_start3A_163 : memref<64xi32, #tpu.memory_space<hbm>>) target(%arg8 : memref<64xi32, #tpu.memory_space<vmem>>) target_semaphore(%run_scoped3A : memref<!tpu.dma_semaphore, #tpu.memory_space<semaphore_mem>>)
      %dma_wait3A_164 = tpu.memref_slice %arg5[%mul3A_2] : memref<2048xi32, #tpu.memory_space<hbm>> -> memref<64xi32, #tpu.memory_space<hbm>>
      %dma_wait3A_165 = tpu.memref_slice %arg5[%mul3A_2] : memref<2048xi32, #tpu.memory_space<hbm>> -> memref<64xi32, #tpu.memory_space<hbm>>
      tpu.wait_dma2 semaphore(%run_scoped3A : memref<!tpu.dma_semaphore, #tpu.memory_space<semaphore_mem>>) src(%dma_wait3A_165 : memref<64xi32, #tpu.memory_space<hbm>>) dst(%arg8 : memref<64xi32, #tpu.memory_space<vmem>>)
      tpu.yield
    }) : () -> ()
    %get3A = arith.constant 0 : index
    %get3A_3 = tpu.vector_load %arg7[%get3A] {strides = array<i32>} : memref<64xi32, #tpu.memory_space<vmem>>, vector<16xi32>,
    %swap3A = arith.constant 0 : index
    %swap3A_4 = tpu.vector_load %arg9[%swap3A] {strides = array<i32>} : memref<32xi32, #tpu.memory_space<vmem>>, vector<16xi32>,
    tpu.vector_store %arg9[%swap3A], %get3A_3 {strides = array<i32>} : memref<32xi32, #tpu.memory_space<vmem>>, vector<16xi32>,
    %get3A_5 = arith.constant 0 : index
    %get3A_6 = tpu.vector_load %arg8[%get3A_5] {strides = array<i32>} : memref<64xi32, #tpu.memory_space<vmem>>, vector<16xi32>,
    %swap3A_7 = arith.constant 16 : index
    %swap3A_8 = tpu.vector_load %arg9[%swap3A_7] {strides = array<i32>} : memref<32xi32, #tpu.memory_space<vmem>>, vector<16xi32>,
    tpu.vector_store %arg9[%swap3A_7], %get3A_6 {strides = array<i32>} : memref<32xi32, #tpu.memory_space<vmem>>, vector<16xi32>,
    %dma_start3A = arith.constant 0 : i32
    %dma_start3A_9 = arith.constant 0 : i32
    %dma_start3A_10 = tpu.memref_slice %arg2[%dma_start3A, %dma_start3A_9] : memref<6144x768xf32, #tpu.memory_space<hbm>> -> memref<6144x768xf32, #tpu.memory_space<hbm>>
    tpu.enqueue_indirect_dma source(%dma_start3A_10 : memref<6144x768xf32, #tpu.memory_space<hbm>>) target(%arg11 : memref<32x768xf32, #tpu.memory_space<vmem>>) offsets(%arg9 : memref<32xi32, #tpu.memory_space<vmem>>) semaphore(%arg17 : memref<!tpu.dma_semaphore, #tpu.memory_space<semaphore_mem>>)
    %add3A_11 = arith.constant 0 : i32
    %add3A_12 = arith.addi %mul3A_2, %add3A_11 : i32
    %dma_start3A_13 = arith.constant 0 : i32
    %dma_start3A_14 = tpu.memref_slice %arg3[%add3A_12, %dma_start3A_13] : memref<2048x768xf32, #tpu.memory_space<hbm>> -> memref<16x768xf32, #tpu.memory_space<hbm>>
    %dma_start3A_15 = arith.constant 0 : i32
    %dma_start3A_16 = tpu.memref_slice %arg3[%add3A_12, %dma_start3A_15] : memref<2048x768xf32, #tpu.memory_space<hbm>> -> memref<16x768xf32, #tpu.memory_space<hbm>>
    tpu.enqueue_dma source(%dma_start3A_16 : memref<16x768xf32, #tpu.memory_space<hbm>>) target(%arg13 : memref<16x768xf32, #tpu.memory_space<vmem>>) target_semaphore(%arg19 : memref<!tpu.dma_semaphore, #tpu.memory_space<semaphore_mem>>)
    %dma_wait3A = arith.constant 0 : i32
    %dma_wait3A_17 = arith.constant 0 : i32
    %dma_wait3A_18 = tpu.memref_slice %arg2[%dma_wait3A, %dma_wait3A_17] : memref<6144x768xf32, #tpu.memory_space<hbm>> -> memref<6144x768xf32, #tpu.memory_space<hbm>>
    tpu.wait_indirect_dma semaphore(%arg17 : memref<!tpu.dma_semaphore, #tpu.memory_space<semaphore_mem>>) src(%dma_wait3A_18 : memref<6144x768xf32, #tpu.memory_space<hbm>>) dst(%arg11 : memref<32x768xf32, #tpu.memory_space<vmem>>)
    %dma_wait3A_19 = arith.constant 0 : i32
    %dma_wait3A_20 = tpu.memref_slice %arg3[%add3A_12, %dma_wait3A_19] : memref<2048x768xf32, #tpu.memory_space<hbm>> -> memref<16x768xf32, #tpu.memory_space<hbm>>
    %dma_wait3A_21 = arith.constant 0 : i32
    %dma_wait3A_22 = tpu.memref_slice %arg3[%add3A_12, %dma_wait3A_21] : memref<2048x768xf32, #tpu.memory_space<hbm>> -> memref<16x768xf32, #tpu.memory_space<hbm>>
    tpu.wait_dma2 semaphore(%arg19 : memref<!tpu.dma_semaphore, #tpu.memory_space<semaphore_mem>>) src(%dma_wait3A_22 : memref<16x768xf32, #tpu.memory_space<hbm>>) dst(%arg13 : memref<16x768xf32, #tpu.memory_space<vmem>>)
    %get3A_23 = arith.constant 16 : index
    %get3A_24 = tpu.vector_load %arg7[%get3A_23] {strides = array<i32>} : memref<64xi32, #tpu.memory_space<vmem>>, vector<16xi32>,
    %swap3A_25 = arith.constant 0 : index
    %swap3A_26 = tpu.vector_load %arg10[%swap3A_25] {strides = array<i32>} : memref<32xi32, #tpu.memory_space<vmem>>, vector<16xi32>,
    tpu.vector_store %arg10[%swap3A_25], %get3A_24 {strides = array<i32>} : memref<32xi32, #tpu.memory_space<vmem>>, vector<16xi32>,
    %get3A_27 = arith.constant 16 : index
    %get3A_28 = tpu.vector_load %arg8[%get3A_27] {strides = array<i32>} : memref<64xi32, #tpu.memory_space<vmem>>, vector<16xi32>,
    %swap3A_29 = arith.constant 16 : index
    %swap3A_30 = tpu.vector_load %arg10[%swap3A_29] {strides = array<i32>} : memref<32xi32, #tpu.memory_space<vmem>>, vector<16xi32>,
    tpu.vector_store %arg10[%swap3A_29], %get3A_28 {strides = array<i32>} : memref<32xi32, #tpu.memory_space<vmem>>, vector<16xi32>,
    %dma_start3A_31 = arith.constant 0 : i32
    %dma_start3A_32 = arith.constant 0 : i32
    %dma_start3A_33 = tpu.memref_slice %arg2[%dma_start3A_31, %dma_start3A_32] : memref<6144x768xf32, #tpu.memory_space<hbm>> -> memref<6144x768xf32, #tpu.memory_space<hbm>>
    tpu.enqueue_indirect_dma source(%dma_start3A_33 : memref<6144x768xf32, #tpu.memory_space<hbm>>) target(%arg12 : memref<32x768xf32, #tpu.memory_space<vmem>>) offsets(%arg10 : memref<32xi32, #tpu.memory_space<vmem>>) semaphore(%arg18 : memref<!tpu.dma_semaphore, #tpu.memory_space<semaphore_mem>>)
    %add3A_34 = arith.constant 16 : i32
    %add3A_35 = arith.addi %mul3A_2, %add3A_34 : i32
    %dma_start3A_36 = arith.constant 0 : i32
    %dma_start3A_37 = tpu.memref_slice %arg3[%add3A_35, %dma_start3A_36] : memref<2048x768xf32, #tpu.memory_space<hbm>> -> memref<16x768xf32, #tpu.memory_space<hbm>>
    %dma_start3A_38 = arith.constant 0 : i32
    %dma_start3A_39 = tpu.memref_slice %arg3[%add3A_35, %dma_start3A_38] : memref<2048x768xf32, #tpu.memory_space<hbm>> -> memref<16x768xf32, #tpu.memory_space<hbm>>
    tpu.enqueue_dma source(%dma_start3A_39 : memref<16x768xf32, #tpu.memory_space<hbm>>) target(%arg14 : memref<16x768xf32, #tpu.memory_space<vmem>>) target_semaphore(%arg20 : memref<!tpu.dma_semaphore, #tpu.memory_space<semaphore_mem>>)
    %scan3A = arith.constant 0 : i32
    %scan3A_40 = arith.constant 0 : i32
    %scan3A_41 = arith.constant 16 : i32
    %scan3A_42 = arith.addi %scan3A_40, %scan3A_41 : i32
    %scan3A_43 = arith.constant 1 : i32
    %scan3A_44 = scf.for %scan3A_162 = %scan3A_40 to %scan3A_42 step %scan3A_43 iter_args(%scan3A_163 = %scan3A) -> (i32)  : i32 {
      %scan3A_164 = arith.constant 0 : i32
      %scan3A_165 = arith.constant 0 : i32
      %scan3A_166 = arith.constant 48 : i32
      %scan3A_167 = arith.addi %scan3A_165, %scan3A_166 : i32
      %scan3A_168 = arith.constant 1 : i32
      %scan3A_169 = scf.for %scan3A_172 = %scan3A_165 to %scan3A_167 step %scan3A_168 iter_args(%scan3A_173 = %scan3A_164) -> (i32)  : i32 {
        %mul3A_174 = arith.constant 16 : i32
        %mul3A_175 = arith.muli %scan3A_172, %mul3A_174 : i32
        %get3A_176 = arith.index_cast %scan3A_162 : i32 to index
        %get3A_177 = arith.index_cast %mul3A_175 : i32 to index
        %get3A_178 = tpu.vector_load %arg11[%get3A_176, %get3A_177] {strides = array<i32>} : memref<32x768xf32, #tpu.memory_space<vmem>>, vector<16xf32>,
        %add3A_179 = arith.constant 16 : i32
        %add3A_180 = arith.addi %add3A_179, %scan3A_162 : i32
        %get3A_181 = arith.index_cast %add3A_180 : i32 to index
        %get3A_182 = arith.index_cast %mul3A_175 : i32 to index
        %get3A_183 = tpu.vector_load %arg11[%get3A_181, %get3A_182] {strides = array<i32>} : memref<32x768xf32, #tpu.memory_space<vmem>>, vector<16xf32>,
        %add3A_184 = arith.addf %get3A_178, %get3A_183 : vector<16xf32>
        %get3A_185 = arith.index_cast %scan3A_162 : i32 to index
        %get3A_186 = arith.index_cast %mul3A_175 : i32 to index
        %get3A_187 = tpu.vector_load %arg13[%get3A_185, %get3A_186] {strides = array<i32>} : memref<16x768xf32, #tpu.memory_space<vmem>>, vector<16xf32>,
        %add3A_188 = arith.addf %add3A_184, %get3A_187 : vector<16xf32>
        %swap3A_189 = arith.index_cast %scan3A_162 : i32 to index
        %swap3A_190 = arith.index_cast %mul3A_175 : i32 to index
        %swap3A_191 = tpu.vector_load %arg15[%swap3A_189, %swap3A_190] {strides = array<i32>} : memref<16x768xf32, #tpu.memory_space<vmem>>, vector<16xf32>,
        tpu.vector_store %arg15[%swap3A_189, %swap3A_190], %add3A_188 {strides = array<i32>} : memref<16x768xf32, #tpu.memory_space<vmem>>, vector<16xf32>,
        %scan3A_192 = arith.constant 0 : i32
        scf.yield %scan3A_192 : i32
      }
      %scan3A_170 = arith.constant 48 : i32
      %scan3A_171 = arith.constant 0 : i32
      scf.yield %scan3A_171 : i32
    }
    %scan3A_45 = arith.constant 16 : i32
    %add3A_46 = arith.constant 0 : i32
    %add3A_47 = arith.addi %mul3A_2, %add3A_46 : i32
    %dma_start3A_48 = arith.constant 0 : i32
    %dma_start3A_49 = tpu.memref_slice %arg6[%add3A_47, %dma_start3A_48] : memref<2048x768xf32, #tpu.memory_space<hbm>> -> memref<16x768xf32, #tpu.memory_space<hbm>>
    %dma_start3A_50 = arith.constant 0 : i32
    %dma_start3A_51 = tpu.memref_slice %arg6[%add3A_47, %dma_start3A_50] : memref<2048x768xf32, #tpu.memory_space<hbm>> -> memref<16x768xf32, #tpu.memory_space<hbm>>
    tpu.enqueue_dma source(%arg15 : memref<16x768xf32, #tpu.memory_space<vmem>>) target(%dma_start3A_51 : memref<16x768xf32, #tpu.memory_space<hbm>>) target_semaphore(%arg21 : memref<!tpu.dma_semaphore, #tpu.memory_space<semaphore_mem>>)
    %dma_wait3A_52 = arith.constant 0 : i32
    %dma_wait3A_53 = arith.constant 0 : i32
    %dma_wait3A_54 = tpu.memref_slice %arg2[%dma_wait3A_52, %dma_wait3A_53] : memref<6144x768xf32, #tpu.memory_space<hbm>> -> memref<6144x768xf32, #tpu.memory_space<hbm>>
    tpu.wait_indirect_dma semaphore(%arg18 : memref<!tpu.dma_semaphore, #tpu.memory_space<semaphore_mem>>) src(%dma_wait3A_54 : memref<6144x768xf32, #tpu.memory_space<hbm>>) dst(%arg12 : memref<32x768xf32, #tpu.memory_space<vmem>>)
    %dma_wait3A_55 = arith.constant 0 : i32
    %dma_wait3A_56 = tpu.memref_slice %arg3[%add3A_35, %dma_wait3A_55] : memref<2048x768xf32, #tpu.memory_space<hbm>> -> memref<16x768xf32, #tpu.memory_space<hbm>>
    %dma_wait3A_57 = arith.constant 0 : i32
    %dma_wait3A_58 = tpu.memref_slice %arg3[%add3A_35, %dma_wait3A_57] : memref<2048x768xf32, #tpu.memory_space<hbm>> -> memref<16x768xf32, #tpu.memory_space<hbm>>
    tpu.wait_dma2 semaphore(%arg20 : memref<!tpu.dma_semaphore, #tpu.memory_space<semaphore_mem>>) src(%dma_wait3A_58 : memref<16x768xf32, #tpu.memory_space<hbm>>) dst(%arg14 : memref<16x768xf32, #tpu.memory_space<vmem>>)
    %get3A_59 = arith.constant 32 : index
    %get3A_60 = tpu.vector_load %arg7[%get3A_59] {strides = array<i32>} : memref<64xi32, #tpu.memory_space<vmem>>, vector<16xi32>,
    %swap3A_61 = arith.constant 0 : index
    %swap3A_62 = tpu.vector_load %arg9[%swap3A_61] {strides = array<i32>} : memref<32xi32, #tpu.memory_space<vmem>>, vector<16xi32>,
    tpu.vector_store %arg9[%swap3A_61], %get3A_60 {strides = array<i32>} : memref<32xi32, #tpu.memory_space<vmem>>, vector<16xi32>,
    %get3A_63 = arith.constant 32 : index
    %get3A_64 = tpu.vector_load %arg8[%get3A_63] {strides = array<i32>} : memref<64xi32, #tpu.memory_space<vmem>>, vector<16xi32>,
    %swap3A_65 = arith.constant 16 : index
    %swap3A_66 = tpu.vector_load %arg9[%swap3A_65] {strides = array<i32>} : memref<32xi32, #tpu.memory_space<vmem>>, vector<16xi32>,
    tpu.vector_store %arg9[%swap3A_65], %get3A_64 {strides = array<i32>} : memref<32xi32, #tpu.memory_space<vmem>>, vector<16xi32>,
    %dma_start3A_67 = arith.constant 0 : i32
    %dma_start3A_68 = arith.constant 0 : i32
    %dma_start3A_69 = tpu.memref_slice %arg2[%dma_start3A_67, %dma_start3A_68] : memref<6144x768xf32, #tpu.memory_space<hbm>> -> memref<6144x768xf32, #tpu.memory_space<hbm>>
    tpu.enqueue_indirect_dma source(%dma_start3A_69 : memref<6144x768xf32, #tpu.memory_space<hbm>>) target(%arg11 : memref<32x768xf32, #tpu.memory_space<vmem>>) offsets(%arg9 : memref<32xi32, #tpu.memory_space<vmem>>) semaphore(%arg17 : memref<!tpu.dma_semaphore, #tpu.memory_space<semaphore_mem>>)
    %add3A_70 = arith.constant 32 : i32
    %add3A_71 = arith.addi %mul3A_2, %add3A_70 : i32
    %dma_start3A_72 = arith.constant 0 : i32
    %dma_start3A_73 = tpu.memref_slice %arg3[%add3A_71, %dma_start3A_72] : memref<2048x768xf32, #tpu.memory_space<hbm>> -> memref<16x768xf32, #tpu.memory_space<hbm>>
    %dma_start3A_74 = arith.constant 0 : i32
    %dma_start3A_75 = tpu.memref_slice %arg3[%add3A_71, %dma_start3A_74] : memref<2048x768xf32, #tpu.memory_space<hbm>> -> memref<16x768xf32, #tpu.memory_space<hbm>>
    tpu.enqueue_dma source(%dma_start3A_75 : memref<16x768xf32, #tpu.memory_space<hbm>>) target(%arg13 : memref<16x768xf32, #tpu.memory_space<vmem>>) target_semaphore(%arg19 : memref<!tpu.dma_semaphore, #tpu.memory_space<semaphore_mem>>)
    %scan3A_76 = arith.constant 0 : i32
    %scan3A_77 = arith.constant 0 : i32
    %scan3A_78 = arith.constant 16 : i32
    %scan3A_79 = arith.addi %scan3A_77, %scan3A_78 : i32
    %scan3A_80 = arith.constant 1 : i32
    %scan3A_81 = scf.for %scan3A_162 = %scan3A_77 to %scan3A_79 step %scan3A_80 iter_args(%scan3A_163 = %scan3A_76) -> (i32)  : i32 {
      %scan3A_164 = arith.constant 0 : i32
      %scan3A_165 = arith.constant 0 : i32
      %scan3A_166 = arith.constant 48 : i32
      %scan3A_167 = arith.addi %scan3A_165, %scan3A_166 : i32
      %scan3A_168 = arith.constant 1 : i32
      %scan3A_169 = scf.for %scan3A_172 = %scan3A_165 to %scan3A_167 step %scan3A_168 iter_args(%scan3A_173 = %scan3A_164) -> (i32)  : i32 {
        %mul3A_174 = arith.constant 16 : i32
        %mul3A_175 = arith.muli %scan3A_172, %mul3A_174 : i32
        %get3A_176 = arith.index_cast %scan3A_162 : i32 to index
        %get3A_177 = arith.index_cast %mul3A_175 : i32 to index
        %get3A_178 = tpu.vector_load %arg12[%get3A_176, %get3A_177] {strides = array<i32>} : memref<32x768xf32, #tpu.memory_space<vmem>>, vector<16xf32>,
        %add3A_179 = arith.constant 16 : i32
        %add3A_180 = arith.addi %add3A_179, %scan3A_162 : i32
        %get3A_181 = arith.index_cast %add3A_180 : i32 to index
        %get3A_182 = arith.index_cast %mul3A_175 : i32 to index
        %get3A_183 = tpu.vector_load %arg12[%get3A_181, %get3A_182] {strides = array<i32>} : memref<32x768xf32, #tpu.memory_space<vmem>>, vector<16xf32>,
        %add3A_184 = arith.addf %get3A_178, %get3A_183 : vector<16xf32>
        %get3A_185 = arith.index_cast %scan3A_162 : i32 to index
        %get3A_186 = arith.index_cast %mul3A_175 : i32 to index
        %get3A_187 = tpu.vector_load %arg14[%get3A_185, %get3A_186] {strides = array<i32>} : memref<16x768xf32, #tpu.memory_space<vmem>>, vector<16xf32>,
        %add3A_188 = arith.addf %add3A_184, %get3A_187 : vector<16xf32>
        %swap3A_189 = arith.index_cast %scan3A_162 : i32 to index
        %swap3A_190 = arith.index_cast %mul3A_175 : i32 to index
        %swap3A_191 = tpu.vector_load %arg16[%swap3A_189, %swap3A_190] {strides = array<i32>} : memref<16x768xf32, #tpu.memory_space<vmem>>, vector<16xf32>,
        tpu.vector_store %arg16[%swap3A_189, %swap3A_190], %add3A_188 {strides = array<i32>} : memref<16x768xf32, #tpu.memory_space<vmem>>, vector<16xf32>,
        %scan3A_192 = arith.constant 0 : i32
        scf.yield %scan3A_192 : i32
      }
      %scan3A_170 = arith.constant 48 : i32
      %scan3A_171 = arith.constant 0 : i32
      scf.yield %scan3A_171 : i32
    }
    %scan3A_82 = arith.constant 16 : i32
    %add3A_83 = arith.constant 16 : i32
    %add3A_84 = arith.addi %mul3A_2, %add3A_83 : i32
    %dma_start3A_85 = arith.constant 0 : i32
    %dma_start3A_86 = tpu.memref_slice %arg6[%add3A_84, %dma_start3A_85] : memref<2048x768xf32, #tpu.memory_space<hbm>> -> memref<16x768xf32, #tpu.memory_space<hbm>>
    %dma_start3A_87 = arith.constant 0 : i32
    %dma_start3A_88 = tpu.memref_slice %arg6[%add3A_84, %dma_start3A_87] : memref<2048x768xf32, #tpu.memory_space<hbm>> -> memref<16x768xf32, #tpu.memory_space<hbm>>
    tpu.enqueue_dma source(%arg16 : memref<16x768xf32, #tpu.memory_space<vmem>>) target(%dma_start3A_88 : memref<16x768xf32, #tpu.memory_space<hbm>>) target_semaphore(%arg22 : memref<!tpu.dma_semaphore, #tpu.memory_space<semaphore_mem>>)
    %dma_wait3A_89 = arith.constant 0 : i32
    %dma_wait3A_90 = arith.constant 0 : i32
    %dma_wait3A_91 = tpu.memref_slice %arg2[%dma_wait3A_89, %dma_wait3A_90] : memref<6144x768xf32, #tpu.memory_space<hbm>> -> memref<6144x768xf32, #tpu.memory_space<hbm>>
    tpu.wait_indirect_dma semaphore(%arg17 : memref<!tpu.dma_semaphore, #tpu.memory_space<semaphore_mem>>) src(%dma_wait3A_91 : memref<6144x768xf32, #tpu.memory_space<hbm>>) dst(%arg11 : memref<32x768xf32, #tpu.memory_space<vmem>>)
    %dma_wait3A_92 = arith.constant 0 : i32
    %dma_wait3A_93 = tpu.memref_slice %arg3[%add3A_71, %dma_wait3A_92] : memref<2048x768xf32, #tpu.memory_space<hbm>> -> memref<16x768xf32, #tpu.memory_space<hbm>>
    %dma_wait3A_94 = arith.constant 0 : i32
    %dma_wait3A_95 = tpu.memref_slice %arg3[%add3A_71, %dma_wait3A_94] : memref<2048x768xf32, #tpu.memory_space<hbm>> -> memref<16x768xf32, #tpu.memory_space<hbm>>
    tpu.wait_dma2 semaphore(%arg19 : memref<!tpu.dma_semaphore, #tpu.memory_space<semaphore_mem>>) src(%dma_wait3A_95 : memref<16x768xf32, #tpu.memory_space<hbm>>) dst(%arg13 : memref<16x768xf32, #tpu.memory_space<vmem>>)
    %get3A_96 = arith.constant 48 : index
    %get3A_97 = tpu.vector_load %arg7[%get3A_96] {strides = array<i32>} : memref<64xi32, #tpu.memory_space<vmem>>, vector<16xi32>,
    %swap3A_98 = arith.constant 0 : index
    %swap3A_99 = tpu.vector_load %arg10[%swap3A_98] {strides = array<i32>} : memref<32xi32, #tpu.memory_space<vmem>>, vector<16xi32>,
    tpu.vector_store %arg10[%swap3A_98], %get3A_97 {strides = array<i32>} : memref<32xi32, #tpu.memory_space<vmem>>, vector<16xi32>,
    %get3A_100 = arith.constant 48 : index
    %get3A_101 = tpu.vector_load %arg8[%get3A_100] {strides = array<i32>} : memref<64xi32, #tpu.memory_space<vmem>>, vector<16xi32>,
    %swap3A_102 = arith.constant 16 : index
    %swap3A_103 = tpu.vector_load %arg10[%swap3A_102] {strides = array<i32>} : memref<32xi32, #tpu.memory_space<vmem>>, vector<16xi32>,
    tpu.vector_store %arg10[%swap3A_102], %get3A_101 {strides = array<i32>} : memref<32xi32, #tpu.memory_space<vmem>>, vector<16xi32>,
    %dma_start3A_104 = arith.constant 0 : i32
    %dma_start3A_105 = arith.constant 0 : i32
    %dma_start3A_106 = tpu.memref_slice %arg2[%dma_start3A_104, %dma_start3A_105] : memref<6144x768xf32, #tpu.memory_space<hbm>> -> memref<6144x768xf32, #tpu.memory_space<hbm>>
    tpu.enqueue_indirect_dma source(%dma_start3A_106 : memref<6144x768xf32, #tpu.memory_space<hbm>>) target(%arg12 : memref<32x768xf32, #tpu.memory_space<vmem>>) offsets(%arg10 : memref<32xi32, #tpu.memory_space<vmem>>) semaphore(%arg18 : memref<!tpu.dma_semaphore, #tpu.memory_space<semaphore_mem>>)
    %add3A_107 = arith.constant 48 : i32
    %add3A_108 = arith.addi %mul3A_2, %add3A_107 : i32
    %dma_start3A_109 = arith.constant 0 : i32
    %dma_start3A_110 = tpu.memref_slice %arg3[%add3A_108, %dma_start3A_109] : memref<2048x768xf32, #tpu.memory_space<hbm>> -> memref<16x768xf32, #tpu.memory_space<hbm>>
    %dma_start3A_111 = arith.constant 0 : i32
    %dma_start3A_112 = tpu.memref_slice %arg3[%add3A_108, %dma_start3A_111] : memref<2048x768xf32, #tpu.memory_space<hbm>> -> memref<16x768xf32, #tpu.memory_space<hbm>>
    tpu.enqueue_dma source(%dma_start3A_112 : memref<16x768xf32, #tpu.memory_space<hbm>>) target(%arg14 : memref<16x768xf32, #tpu.memory_space<vmem>>) target_semaphore(%arg20 : memref<!tpu.dma_semaphore, #tpu.memory_space<semaphore_mem>>)
    %dma_wait3A_113 = arith.constant 0 : i32
    %dma_wait3A_114 = tpu.memref_slice %arg6[%add3A_47, %dma_wait3A_113] : memref<2048x768xf32, #tpu.memory_space<hbm>> -> memref<16x768xf32, #tpu.memory_space<hbm>>
    %dma_wait3A_115 = arith.constant 0 : i32
    %dma_wait3A_116 = tpu.memref_slice %arg6[%add3A_47, %dma_wait3A_115] : memref<2048x768xf32, #tpu.memory_space<hbm>> -> memref<16x768xf32, #tpu.memory_space<hbm>>
    tpu.wait_dma2 semaphore(%arg21 : memref<!tpu.dma_semaphore, #tpu.memory_space<semaphore_mem>>) src(%arg15 : memref<16x768xf32, #tpu.memory_space<vmem>>) dst(%dma_wait3A_116 : memref<16x768xf32, #tpu.memory_space<hbm>>)
    %scan3A_117 = arith.constant 0 : i32
    %scan3A_118 = arith.constant 0 : i32
    %scan3A_119 = arith.constant 16 : i32
    %scan3A_120 = arith.addi %scan3A_118, %scan3A_119 : i32
    %scan3A_121 = arith.constant 1 : i32
    %scan3A_122 = scf.for %scan3A_162 = %scan3A_118 to %scan3A_120 step %scan3A_121 iter_args(%scan3A_163 = %scan3A_117) -> (i32)  : i32 {
      %scan3A_164 = arith.constant 0 : i32
      %scan3A_165 = arith.constant 0 : i32
      %scan3A_166 = arith.constant 48 : i32
      %scan3A_167 = arith.addi %scan3A_165, %scan3A_166 : i32
      %scan3A_168 = arith.constant 1 : i32
      %scan3A_169 = scf.for %scan3A_172 = %scan3A_165 to %scan3A_167 step %scan3A_168 iter_args(%scan3A_173 = %scan3A_164) -> (i32)  : i32 {
        %mul3A_174 = arith.constant 16 : i32
        %mul3A_175 = arith.muli %scan3A_172, %mul3A_174 : i32
        %get3A_176 = arith.index_cast %scan3A_162 : i32 to index
        %get3A_177 = arith.index_cast %mul3A_175 : i32 to index
        %get3A_178 = tpu.vector_load %arg11[%get3A_176, %get3A_177] {strides = array<i32>} : memref<32x768xf32, #tpu.memory_space<vmem>>, vector<16xf32>,
        %add3A_179 = arith.constant 16 : i32
        %add3A_180 = arith.addi %add3A_179, %scan3A_162 : i32
        %get3A_181 = arith.index_cast %add3A_180 : i32 to index
        %get3A_182 = arith.index_cast %mul3A_175 : i32 to index
        %get3A_183 = tpu.vector_load %arg11[%get3A_181, %get3A_182] {strides = array<i32>} : memref<32x768xf32, #tpu.memory_space<vmem>>, vector<16xf32>,
        %add3A_184 = arith.addf %get3A_178, %get3A_183 : vector<16xf32>
        %get3A_185 = arith.index_cast %scan3A_162 : i32 to index
        %get3A_186 = arith.index_cast %mul3A_175 : i32 to index
        %get3A_187 = tpu.vector_load %arg13[%get3A_185, %get3A_186] {strides = array<i32>} : memref<16x768xf32, #tpu.memory_space<vmem>>, vector<16xf32>,
        %add3A_188 = arith.addf %add3A_184, %get3A_187 : vector<16xf32>
        %swap3A_189 = arith.index_cast %scan3A_162 : i32 to index
        %swap3A_190 = arith.index_cast %mul3A_175 : i32 to index
        %swap3A_191 = tpu.vector_load %arg15[%swap3A_189, %swap3A_190] {strides = array<i32>} : memref<16x768xf32, #tpu.memory_space<vmem>>, vector<16xf32>,
        tpu.vector_store %arg15[%swap3A_189, %swap3A_190], %add3A_188 {strides = array<i32>} : memref<16x768xf32, #tpu.memory_space<vmem>>, vector<16xf32>,
        %scan3A_192 = arith.constant 0 : i32
        scf.yield %scan3A_192 : i32
      }
      %scan3A_170 = arith.constant 48 : i32
      %scan3A_171 = arith.constant 0 : i32
      scf.yield %scan3A_171 : i32
    }
    %scan3A_123 = arith.constant 16 : i32
    %add3A_124 = arith.constant 32 : i32
    %add3A_125 = arith.addi %mul3A_2, %add3A_124 : i32
    %dma_start3A_126 = arith.constant 0 : i32
    %dma_start3A_127 = tpu.memref_slice %arg6[%add3A_125, %dma_start3A_126] : memref<2048x768xf32, #tpu.memory_space<hbm>> -> memref<16x768xf32, #tpu.memory_space<hbm>>
    %dma_start3A_128 = arith.constant 0 : i32
    %dma_start3A_129 = tpu.memref_slice %arg6[%add3A_125, %dma_start3A_128] : memref<2048x768xf32, #tpu.memory_space<hbm>> -> memref<16x768xf32, #tpu.memory_space<hbm>>
    tpu.enqueue_dma source(%arg15 : memref<16x768xf32, #tpu.memory_space<vmem>>) target(%dma_start3A_129 : memref<16x768xf32, #tpu.memory_space<hbm>>) target_semaphore(%arg21 : memref<!tpu.dma_semaphore, #tpu.memory_space<semaphore_mem>>)
    %dma_wait3A_130 = arith.constant 0 : i32
    %dma_wait3A_131 = arith.constant 0 : i32
    %dma_wait3A_132 = tpu.memref_slice %arg2[%dma_wait3A_130, %dma_wait3A_131] : memref<6144x768xf32, #tpu.memory_space<hbm>> -> memref<6144x768xf32, #tpu.memory_space<hbm>>
    tpu.wait_indirect_dma semaphore(%arg18 : memref<!tpu.dma_semaphore, #tpu.memory_space<semaphore_mem>>) src(%dma_wait3A_132 : memref<6144x768xf32, #tpu.memory_space<hbm>>) dst(%arg12 : memref<32x768xf32, #tpu.memory_space<vmem>>)
    %dma_wait3A_133 = arith.constant 0 : i32
    %dma_wait3A_134 = tpu.memref_slice %arg3[%add3A_108, %dma_wait3A_133] : memref<2048x768xf32, #tpu.memory_space<hbm>> -> memref<16x768xf32, #tpu.memory_space<hbm>>
    %dma_wait3A_135 = arith.constant 0 : i32
    %dma_wait3A_136 = tpu.memref_slice %arg3[%add3A_108, %dma_wait3A_135] : memref<2048x768xf32, #tpu.memory_space<hbm>> -> memref<16x768xf32, #tpu.memory_space<hbm>>
    tpu.wait_dma2 semaphore(%arg20 : memref<!tpu.dma_semaphore, #tpu.memory_space<semaphore_mem>>) src(%dma_wait3A_136 : memref<16x768xf32, #tpu.memory_space<hbm>>) dst(%arg14 : memref<16x768xf32, #tpu.memory_space<vmem>>)
    %dma_wait3A_137 = arith.constant 0 : i32
    %dma_wait3A_138 = tpu.memref_slice %arg6[%add3A_84, %dma_wait3A_137] : memref<2048x768xf32, #tpu.memory_space<hbm>> -> memref<16x768xf32, #tpu.memory_space<hbm>>
    %dma_wait3A_139 = arith.constant 0 : i32
    %dma_wait3A_140 = tpu.memref_slice %arg6[%add3A_84, %dma_wait3A_139] : memref<2048x768xf32, #tpu.memory_space<hbm>> -> memref<16x768xf32, #tpu.memory_space<hbm>>
    tpu.wait_dma2 semaphore(%arg22 : memref<!tpu.dma_semaphore, #tpu.memory_space<semaphore_mem>>) src(%arg16 : memref<16x768xf32, #tpu.memory_space<vmem>>) dst(%dma_wait3A_140 : memref<16x768xf32, #tpu.memory_space<hbm>>)
    %scan3A_141 = arith.constant 0 : i32
    %scan3A_142 = arith.constant 0 : i32
    %scan3A_143 = arith.constant 16 : i32
    %scan3A_144 = arith.addi %scan3A_142, %scan3A_143 : i32
    %scan3A_145 = arith.constant 1 : i32
    %scan3A_146 = scf.for %scan3A_162 = %scan3A_142 to %scan3A_144 step %scan3A_145 iter_args(%scan3A_163 = %scan3A_141) -> (i32)  : i32 {
      %scan3A_164 = arith.constant 0 : i32
      %scan3A_165 = arith.constant 0 : i32
      %scan3A_166 = arith.constant 48 : i32
      %scan3A_167 = arith.addi %scan3A_165, %scan3A_166 : i32
      %scan3A_168 = arith.constant 1 : i32
      %scan3A_169 = scf.for %scan3A_172 = %scan3A_165 to %scan3A_167 step %scan3A_168 iter_args(%scan3A_173 = %scan3A_164) -> (i32)  : i32 {
        %mul3A_174 = arith.constant 16 : i32
        %mul3A_175 = arith.muli %scan3A_172, %mul3A_174 : i32
        %get3A_176 = arith.index_cast %scan3A_162 : i32 to index
        %get3A_177 = arith.index_cast %mul3A_175 : i32 to index
        %get3A_178 = tpu.vector_load %arg12[%get3A_176, %get3A_177] {strides = array<i32>} : memref<32x768xf32, #tpu.memory_space<vmem>>, vector<16xf32>,
        %add3A_179 = arith.constant 16 : i32
        %add3A_180 = arith.addi %add3A_179, %scan3A_162 : i32
        %get3A_181 = arith.index_cast %add3A_180 : i32 to index
        %get3A_182 = arith.index_cast %mul3A_175 : i32 to index
        %get3A_183 = tpu.vector_load %arg12[%get3A_181, %get3A_182] {strides = array<i32>} : memref<32x768xf32, #tpu.memory_space<vmem>>, vector<16xf32>,
        %add3A_184 = arith.addf %get3A_178, %get3A_183 : vector<16xf32>
        %get3A_185 = arith.index_cast %scan3A_162 : i32 to index
        %get3A_186 = arith.index_cast %mul3A_175 : i32 to index
        %get3A_187 = tpu.vector_load %arg14[%get3A_185, %get3A_186] {strides = array<i32>} : memref<16x768xf32, #tpu.memory_space<vmem>>, vector<16xf32>,
        %add3A_188 = arith.addf %add3A_184, %get3A_187 : vector<16xf32>
        %swap3A_189 = arith.index_cast %scan3A_162 : i32 to index
        %swap3A_190 = arith.index_cast %mul3A_175 : i32 to index
        %swap3A_191 = tpu.vector_load %arg16[%swap3A_189, %swap3A_190] {strides = array<i32>} : memref<16x768xf32, #tpu.memory_space<vmem>>, vector<16xf32>,
        tpu.vector_store %arg16[%swap3A_189, %swap3A_190], %add3A_188 {strides = array<i32>} : memref<16x768xf32, #tpu.memory_space<vmem>>, vector<16xf32>,
        %scan3A_192 = arith.constant 0 : i32
        scf.yield %scan3A_192 : i32
      }
      %scan3A_170 = arith.constant 48 : i32
      %scan3A_171 = arith.constant 0 : i32
      scf.yield %scan3A_171 : i32
    }
    %scan3A_147 = arith.constant 16 : i32
    %add3A_148 = arith.constant 48 : i32
    %add3A_149 = arith.addi %mul3A_2, %add3A_148 : i32
    %dma_start3A_150 = arith.constant 0 : i32
    %dma_start3A_151 = tpu.memref_slice %arg6[%add3A_149, %dma_start3A_150] : memref<2048x768xf32, #tpu.memory_space<hbm>> -> memref<16x768xf32, #tpu.memory_space<hbm>>
    %dma_start3A_152 = arith.constant 0 : i32
    %dma_start3A_153 = tpu.memref_slice %arg6[%add3A_149, %dma_start3A_152] : memref<2048x768xf32, #tpu.memory_space<hbm>> -> memref<16x768xf32, #tpu.memory_space<hbm>>
    tpu.enqueue_dma source(%arg16 : memref<16x768xf32, #tpu.memory_space<vmem>>) target(%dma_start3A_153 : memref<16x768xf32, #tpu.memory_space<hbm>>) target_semaphore(%arg22 : memref<!tpu.dma_semaphore, #tpu.memory_space<semaphore_mem>>)
    %dma_wait3A_154 = arith.constant 0 : i32
    %dma_wait3A_155 = tpu.memref_slice %arg6[%add3A_125, %dma_wait3A_154] : memref<2048x768xf32, #tpu.memory_space<hbm>> -> memref<16x768xf32, #tpu.memory_space<hbm>>
    %dma_wait3A_156 = arith.constant 0 : i32
    %dma_wait3A_157 = tpu.memref_slice %arg6[%add3A_125, %dma_wait3A_156] : memref<2048x768xf32, #tpu.memory_space<hbm>> -> memref<16x768xf32, #tpu.memory_space<hbm>>
    tpu.wait_dma2 semaphore(%arg21 : memref<!tpu.dma_semaphore, #tpu.memory_space<semaphore_mem>>) src(%arg15 : memref<16x768xf32, #tpu.memory_space<vmem>>) dst(%dma_wait3A_157 : memref<16x768xf32, #tpu.memory_space<hbm>>)
    %dma_wait3A_158 = arith.constant 0 : i32
    %dma_wait3A_159 = tpu.memref_slice %arg6[%add3A_149, %dma_wait3A_158] : memref<2048x768xf32, #tpu.memory_space<hbm>> -> memref<16x768xf32, #tpu.memory_space<hbm>>
    %dma_wait3A_160 = arith.constant 0 : i32
    %dma_wait3A_161 = tpu.memref_slice %arg6[%add3A_149, %dma_wait3A_160] : memref<2048x768xf32, #tpu.memory_space<hbm>> -> memref<16x768xf32, #tpu.memory_space<hbm>>
    tpu.wait_dma2 semaphore(%arg22 : memref<!tpu.dma_semaphore, #tpu.memory_space<semaphore_mem>>) src(%arg16 : memref<16x768xf32, #tpu.memory_space<vmem>>) dst(%dma_wait3A_161 : memref<16x768xf32, #tpu.memory_space<hbm>>)
    return
  }
}

#map = affine_map<(d0, d1) -> (0)>
module attributes {stable_mosaic.version = 14 : i64} {
  func.func @_scatter_body(%arg0: i32, %arg1: i32, %arg2: memref<2048xi32, #tpu.memory_space<hbm>>, %arg3: memref<2048xi32, #tpu.memory_space<hbm>>, %arg4: memref<2048xf32, #tpu.memory_space<hbm>>, %arg5: memref<2048xf32, #tpu.memory_space<hbm>>, %arg6: memref<6144xi32, #tpu.memory_space<hbm>>, %arg7: memref<6144xf32, #tpu.memory_space<hbm>>, %arg8: memref<2048xi32, #tpu.memory_space<vmem>>, %arg9: memref<2048xi32, #tpu.memory_space<vmem>>, %arg10: memref<2048xf32, #tpu.memory_space<vmem>>, %arg11: memref<2048xf32, #tpu.memory_space<vmem>>, %arg12: memref<6144xi32, #tpu.memory_space<vmem>>, %arg13: memref<6144xf32, #tpu.memory_space<vmem>>) attributes {dimension_semantics = [#tpu.dimension_semantics<core_parallel>, #tpu.dimension_semantics<subcore_parallel>], iteration_bounds = array<i64: 2, 16>, scalar_prefetch = 0 : i64, scratch_operands = 6 : i64, tpu.core_type = #tpu.core_type<sc_vector_subcore>, window_params = [{transform_indices = #map}, {transform_indices = #map}, {transform_indices = #map}, {transform_indices = #map}, {transform_indices = #map}, {transform_indices = #map}]} {
    %eq3A = arith.constant 0 : i32
    %eq3A_0 = arith.cmpi eq, %arg0, %eq3A : i32
    %eq3A_1 = arith.constant 0 : i32
    %eq3A_2 = arith.cmpi eq, %arg1, %eq3A_1 : i32
    %and3A = arith.andi %eq3A_0, %eq3A_2 : i1
    %convert_element_type3A = arith.extui %and3A : i1 to i32
    %cond3A = arith.constant 0 : i32
    %cond3A_3 = arith.cmpi ne, %convert_element_type3A, %cond3A : i32
    scf.if %cond3A_3 {
      "tpu.region"() ({
        %run_scoped3A = tpu.sem_alloc : memref<!tpu.dma_semaphore, #tpu.memory_space<semaphore_mem>>
        tpu.enqueue_dma source(%arg2 : memref<2048xi32, #tpu.memory_space<hbm>>) target(%arg8 : memref<2048xi32, #tpu.memory_space<vmem>>) target_semaphore(%run_scoped3A : memref<!tpu.dma_semaphore, #tpu.memory_space<semaphore_mem>>)
        tpu.wait_dma2 semaphore(%run_scoped3A : memref<!tpu.dma_semaphore, #tpu.memory_space<semaphore_mem>>) src(%arg2 : memref<2048xi32, #tpu.memory_space<hbm>>) dst(%arg8 : memref<2048xi32, #tpu.memory_space<vmem>>)
        tpu.yield
      }) : () -> ()
      "tpu.region"() ({
        %run_scoped3A = tpu.sem_alloc : memref<!tpu.dma_semaphore, #tpu.memory_space<semaphore_mem>>
        tpu.enqueue_dma source(%arg3 : memref<2048xi32, #tpu.memory_space<hbm>>) target(%arg9 : memref<2048xi32, #tpu.memory_space<vmem>>) target_semaphore(%run_scoped3A : memref<!tpu.dma_semaphore, #tpu.memory_space<semaphore_mem>>)
        tpu.wait_dma2 semaphore(%run_scoped3A : memref<!tpu.dma_semaphore, #tpu.memory_space<semaphore_mem>>) src(%arg3 : memref<2048xi32, #tpu.memory_space<hbm>>) dst(%arg9 : memref<2048xi32, #tpu.memory_space<vmem>>)
        tpu.yield
      }) : () -> ()
      "tpu.region"() ({
        %run_scoped3A = tpu.sem_alloc : memref<!tpu.dma_semaphore, #tpu.memory_space<semaphore_mem>>
        tpu.enqueue_dma source(%arg4 : memref<2048xf32, #tpu.memory_space<hbm>>) target(%arg10 : memref<2048xf32, #tpu.memory_space<vmem>>) target_semaphore(%run_scoped3A : memref<!tpu.dma_semaphore, #tpu.memory_space<semaphore_mem>>)
        tpu.wait_dma2 semaphore(%run_scoped3A : memref<!tpu.dma_semaphore, #tpu.memory_space<semaphore_mem>>) src(%arg4 : memref<2048xf32, #tpu.memory_space<hbm>>) dst(%arg10 : memref<2048xf32, #tpu.memory_space<vmem>>)
        tpu.yield
      }) : () -> ()
      "tpu.region"() ({
        %run_scoped3A = tpu.sem_alloc : memref<!tpu.dma_semaphore, #tpu.memory_space<semaphore_mem>>
        tpu.enqueue_dma source(%arg5 : memref<2048xf32, #tpu.memory_space<hbm>>) target(%arg11 : memref<2048xf32, #tpu.memory_space<vmem>>) target_semaphore(%run_scoped3A : memref<!tpu.dma_semaphore, #tpu.memory_space<semaphore_mem>>)
        tpu.wait_dma2 semaphore(%run_scoped3A : memref<!tpu.dma_semaphore, #tpu.memory_space<semaphore_mem>>) src(%arg5 : memref<2048xf32, #tpu.memory_space<hbm>>) dst(%arg11 : memref<2048xf32, #tpu.memory_space<vmem>>)
        tpu.yield
      }) : () -> ()
      %iota3A = tpu.iota {dimensions = array<i32: 0>} : vector<16xi32>
      %broadcast_in_dim3A = arith.constant 0 : i32
      %broadcast_in_dim3A_4 = vector.broadcast %broadcast_in_dim3A : i32 to vector<16xi32>
      %broadcast_in_dim3A_5 = arith.constant 0.000000e+00 : f32
      %broadcast_in_dim3A_6 = vector.broadcast %broadcast_in_dim3A_5 : f32 to vector<16xf32>
      %scan3A = arith.constant 0 : i32
      %scan3A_7 = arith.constant 0 : i32
      %scan3A_8 = arith.constant 384 : i32
      %scan3A_9 = arith.addi %scan3A_7, %scan3A_8 : i32
      %scan3A_10 = arith.constant 1 : i32
      %scan3A_11 = scf.for %scan3A_20 = %scan3A_7 to %scan3A_9 step %scan3A_10 iter_args(%scan3A_21 = %scan3A) -> (i32)  : i32 {
        %mul3A = arith.constant 16 : i32
        %mul3A_22 = arith.muli %scan3A_20, %mul3A : i32
        %swap3A = arith.index_cast %mul3A_22 : i32 to index
        %swap3A_23 = tpu.vector_load %arg12[%swap3A] {strides = array<i32>} : memref<6144xi32, #tpu.memory_space<vmem>>, vector<16xi32>,
        tpu.vector_store %arg12[%swap3A], %broadcast_in_dim3A_4 {strides = array<i32>} : memref<6144xi32, #tpu.memory_space<vmem>>, vector<16xi32>,
        %swap3A_24 = arith.index_cast %mul3A_22 : i32 to index
        %swap3A_25 = tpu.vector_load %arg13[%swap3A_24] {strides = array<i32>} : memref<6144xf32, #tpu.memory_space<vmem>>, vector<16xf32>,
        tpu.vector_store %arg13[%swap3A_24], %broadcast_in_dim3A_6 {strides = array<i32>} : memref<6144xf32, #tpu.memory_space<vmem>>, vector<16xf32>,
        %scan3A_26 = arith.constant 0 : i32
        scf.yield %scan3A_26 : i32
      }
      %scan3A_12 = arith.constant 384 : i32
      %scan3A_13 = arith.constant 0 : i32
      %scan3A_14 = arith.constant 0 : i32
      %scan3A_15 = arith.constant 128 : i32
      %scan3A_16 = arith.addi %scan3A_14, %scan3A_15 : i32
      %scan3A_17 = arith.constant 1 : i32
      %scan3A_18 = scf.for %scan3A_20 = %scan3A_14 to %scan3A_16 step %scan3A_17 iter_args(%scan3A_21 = %scan3A_13) -> (i32)  : i32 {
        %mul3A = arith.constant 16 : i32
        %mul3A_22 = arith.muli %scan3A_20, %mul3A : i32
        %add3A = vector.broadcast %mul3A_22 : i32 to vector<16xi32>
        %add3A_23 = arith.addi %add3A, %iota3A : vector<16xi32>
        %get3A = arith.index_cast %mul3A_22 : i32 to index
        %get3A_24 = tpu.vector_load %arg8[%get3A] {strides = array<i32>} : memref<2048xi32, #tpu.memory_space<vmem>>, vector<16xi32>,
        tpu.vector_store_idx %arg12[%get3A_24], %add3A_23 : memref<6144xi32, #tpu.memory_space<vmem>>[vector<16xi32>], vector<16xi32>,
        %get3A_25 = arith.index_cast %mul3A_22 : i32 to index
        %get3A_26 = tpu.vector_load %arg10[%get3A_25] {strides = array<i32>} : memref<2048xf32, #tpu.memory_space<vmem>>, vector<16xf32>,
        tpu.vector_store_idx %arg13[%get3A_24], %get3A_26 : memref<6144xf32, #tpu.memory_space<vmem>>[vector<16xi32>], vector<16xf32>,
        %get3A_27 = arith.index_cast %mul3A_22 : i32 to index
        %get3A_28 = tpu.vector_load %arg9[%get3A_27] {strides = array<i32>} : memref<2048xi32, #tpu.memory_space<vmem>>, vector<16xi32>,
        tpu.vector_store_idx %arg12[%get3A_28], %add3A_23 : memref<6144xi32, #tpu.memory_space<vmem>>[vector<16xi32>], vector<16xi32>,
        %get3A_29 = arith.index_cast %mul3A_22 : i32 to index
        %get3A_30 = tpu.vector_load %arg11[%get3A_29] {strides = array<i32>} : memref<2048xf32, #tpu.memory_space<vmem>>, vector<16xf32>,
        tpu.vector_store_idx %arg13[%get3A_28], %get3A_30 : memref<6144xf32, #tpu.memory_space<vmem>>[vector<16xi32>], vector<16xf32>,
        %scan3A_31 = arith.constant 0 : i32
        scf.yield %scan3A_31 : i32
      }
      %scan3A_19 = arith.constant 128 : i32
      "tpu.region"() ({
        %run_scoped3A = tpu.sem_alloc : memref<!tpu.dma_semaphore, #tpu.memory_space<semaphore_mem>>
        tpu.enqueue_dma source(%arg12 : memref<6144xi32, #tpu.memory_space<vmem>>) target(%arg6 : memref<6144xi32, #tpu.memory_space<hbm>>) target_semaphore(%run_scoped3A : memref<!tpu.dma_semaphore, #tpu.memory_space<semaphore_mem>>)
        tpu.wait_dma2 semaphore(%run_scoped3A : memref<!tpu.dma_semaphore, #tpu.memory_space<semaphore_mem>>) src(%arg12 : memref<6144xi32, #tpu.memory_space<vmem>>) dst(%arg6 : memref<6144xi32, #tpu.memory_space<hbm>>)
        tpu.yield
      }) : () -> ()
      "tpu.region"() ({
        %run_scoped3A = tpu.sem_alloc : memref<!tpu.dma_semaphore, #tpu.memory_space<semaphore_mem>>
        tpu.enqueue_dma source(%arg13 : memref<6144xf32, #tpu.memory_space<vmem>>) target(%arg7 : memref<6144xf32, #tpu.memory_space<hbm>>) target_semaphore(%run_scoped3A : memref<!tpu.dma_semaphore, #tpu.memory_space<semaphore_mem>>)
        tpu.wait_dma2 semaphore(%run_scoped3A : memref<!tpu.dma_semaphore, #tpu.memory_space<semaphore_mem>>) src(%arg13 : memref<6144xf32, #tpu.memory_space<vmem>>) dst(%arg7 : memref<6144xf32, #tpu.memory_space<hbm>>)
        tpu.yield
      }) : () -> ()
    } else {
    }
    return
  }
}

module attributes {stable_mosaic.version = 14 : i64} {
  func.func @_router_body(%arg0: i32, %arg1: memref<2048x768xf32, #tpu.memory_space<vmem>>, %arg2: memref<8x768xf32, #tpu.memory_space<vmem>>, %arg3: memref<512x512xbf16, #tpu.memory_space<vmem>>, %arg4: memref<8x8xf32, #tpu.memory_space<vmem>>, %arg5: memref<2048x1xi32, #tpu.memory_space<vmem>>, %arg6: memref<2048x1xi32, #tpu.memory_space<vmem>>, %arg7: memref<2048x1xf32, #tpu.memory_space<vmem>>, %arg8: memref<2048x1xf32, #tpu.memory_space<vmem>>, %arg9: memref<1x64xi32, #tpu.memory_space<vmem>>) attributes {dimension_semantics = [#tpu.dimension_semantics<arbitrary>], iteration_bounds = array<i64: 1>, scalar_prefetch = 0 : i64, scratch_operands = 0 : i64, tpu.core_type = #tpu.core_type<tc>, window_params = [{pipeline_mode = #tpu.pipeline_mode<synchronous>, transform_indices = @transform_0, window_bounds = array<i64: 2048, 768>}, {pipeline_mode = #tpu.pipeline_mode<synchronous>, transform_indices = @transform_1, window_bounds = array<i64: 8, 768>}, {pipeline_mode = #tpu.pipeline_mode<synchronous>, transform_indices = @transform_2, window_bounds = array<i64: 512, 512>}, {pipeline_mode = #tpu.pipeline_mode<synchronous>, transform_indices = @transform_3, window_bounds = array<i64: 8, 8>}, {pipeline_mode = #tpu.pipeline_mode<synchronous>, transform_indices = @transform_4, window_bounds = array<i64: 2048, 1>}, {pipeline_mode = #tpu.pipeline_mode<synchronous>, transform_indices = @transform_5, window_bounds = array<i64: 2048, 1>}, {pipeline_mode = #tpu.pipeline_mode<synchronous>, transform_indices = @transform_6, window_bounds = array<i64: 2048, 1>}, {pipeline_mode = #tpu.pipeline_mode<synchronous>, transform_indices = @transform_7, window_bounds = array<i64: 2048, 1>}, {pipeline_mode = #tpu.pipeline_mode<synchronous>, transform_indices = @transform_8, window_bounds = array<i64: 1, 64>}]} {
    %get3A = arith.constant 0 : index
    %get3A_0 = arith.constant 0 : index
    %get3A_1 = vector.load %arg1[%get3A, %get3A_0] : memref<2048x768xf32, #tpu.memory_space<vmem>>, vector<2048x768xf32>
    %get3A_2 = arith.constant 0 : index
    %get3A_3 = arith.constant 0 : index
    %get3A_4 = vector.load %arg2[%get3A_2, %get3A_3] : memref<8x768xf32, #tpu.memory_space<vmem>>, vector<8x768xf32>
    %dot_general3A = arith.constant dense<0.000000e+00> : vector<2048x8xf32>
    %dot_general3A_5 = tpu.matmul %get3A_1, %get3A_4, %dot_general3A {dimension_numbers = #tpu.dot_dimension_numbers<[1], [1], [0], [0], [0, 0, 1, 0], [], []>, transpose_lhs_hint = false} : vector<2048x768xf32>, vector<8x768xf32>, vector<2048x8xf32> -> vector<2048x8xf32>
    %reduce_max3A = arith.constant dense<0xFF800000> : vector<2048xf32>
    %reduce_max3A_6 = vector.multi_reduction <maximumf>, %dot_general3A_5, %reduce_max3A [1] : vector<2048x8xf32> to vector<2048xf32>
    %max3A = arith.constant 0xFF800000 : f32
    %max3A_7 = vector.broadcast %max3A : f32 to vector<2048xf32>
    %max3A_8 = arith.maximumf %max3A_7, %reduce_max3A_6 : vector<2048xf32>
    %broadcast_in_dim3A = vector.shape_cast %max3A_8 : vector<2048xf32> to vector<2048x1xf32>
    %sub3A = vector.broadcast %broadcast_in_dim3A : vector<2048x1xf32> to vector<2048x8xf32>
    %sub3A_9 = arith.subf %dot_general3A_5, %sub3A : vector<2048x8xf32>
    %exp3A = math.exp %sub3A_9 : vector<2048x8xf32>
    %reduce_sum3A = arith.constant dense<0.000000e+00> : vector<2048xf32>
    %reduce_sum3A_10 = vector.multi_reduction <add>, %exp3A, %reduce_sum3A [1] : vector<2048x8xf32> to vector<2048xf32>
    %broadcast_in_dim3A_11 = vector.shape_cast %reduce_sum3A_10 : vector<2048xf32> to vector<2048x1xf32>
    %div3A = vector.broadcast %broadcast_in_dim3A_11 : vector<2048x1xf32> to vector<2048x8xf32>
    %div3A_12 = arith.divf %exp3A, %div3A : vector<2048x8xf32>
    %iota3A = tpu.iota {dimensions = array<i32: 1>} : vector<2048x8xi32>
    %argmax3A = tpu.reduce_index %div3A_12 {axis = 1 : i32, kind = #tpu.reduction_kind<arg_max>} : vector<2048x8xf32> -> vector<2048xi32>
    %broadcast_in_dim3A_13 = vector.shape_cast %argmax3A : vector<2048xi32> to vector<2048x1xi32>
    %eq3A = vector.broadcast %broadcast_in_dim3A_13 : vector<2048x1xi32> to vector<2048x8xi32>
    %eq3A_14 = arith.cmpi eq, %iota3A, %eq3A : vector<2048x8xi32>
    %reduce_max3A_15 = arith.constant dense<0xFF800000> : vector<2048xf32>
    %reduce_max3A_16 = vector.multi_reduction <maximumf>, %div3A_12, %reduce_max3A_15 [1] : vector<2048x8xf32> to vector<2048xf32>
    %broadcast_in_dim3A_17 = vector.shape_cast %reduce_max3A_16 : vector<2048xf32> to vector<2048x1xf32>
    %jit3A = arith.constant 0xFF800000 : f32
    %broadcast_in_dim3A_18 = vector.broadcast %jit3A : f32 to vector<2048x8xf32>
    %select_n3A = arith.select %eq3A_14, %broadcast_in_dim3A_18, %div3A_12 : vector<2048x8xi1>, vector<2048x8xf32>
    %argmax3A_19 = tpu.reduce_index %select_n3A {axis = 1 : i32, kind = #tpu.reduction_kind<arg_max>} : vector<2048x8xf32> -> vector<2048xi32>
    %broadcast_in_dim3A_20 = vector.shape_cast %argmax3A_19 : vector<2048xi32> to vector<2048x1xi32>
    %eq3A_21 = vector.broadcast %broadcast_in_dim3A_20 : vector<2048x1xi32> to vector<2048x8xi32>
    %eq3A_22 = arith.cmpi eq, %iota3A, %eq3A_21 : vector<2048x8xi32>
    %reduce_max3A_23 = arith.constant dense<0xFF800000> : vector<2048xf32>
    %reduce_max3A_24 = vector.multi_reduction <maximumf>, %select_n3A, %reduce_max3A_23 [1] : vector<2048x8xf32> to vector<2048xf32>
    %broadcast_in_dim3A_25 = vector.shape_cast %reduce_max3A_24 : vector<2048xf32> to vector<2048x1xf32>
    %add3A = arith.addf %broadcast_in_dim3A_17, %broadcast_in_dim3A_25 : vector<2048x1xf32>
    %add3A_26 = arith.constant 9.99999993E-9 : f32
    %add3A_27 = vector.broadcast %add3A_26 : f32 to vector<2048x1xf32>
    %add3A_28 = arith.addf %add3A, %add3A_27 : vector<2048x1xf32>
    %div3A_29 = arith.divf %broadcast_in_dim3A_17, %add3A_28 : vector<2048x1xf32>
    %swap3A = arith.constant 0 : index
    %swap3A_30 = arith.constant 0 : index
    %swap3A_31 = vector.load %arg7[%swap3A, %swap3A_30] : memref<2048x1xf32, #tpu.memory_space<vmem>>, vector<2048x1xf32>
    tpu.vector_store %arg7[%swap3A, %swap3A_30], %div3A_29 {strides = array<i32>} : memref<2048x1xf32, #tpu.memory_space<vmem>>, vector<2048x1xf32>,
    %div3A_32 = arith.divf %broadcast_in_dim3A_25, %add3A_28 : vector<2048x1xf32>
    %swap3A_33 = arith.constant 0 : index
    %swap3A_34 = arith.constant 0 : index
    %swap3A_35 = vector.load %arg8[%swap3A_33, %swap3A_34] : memref<2048x1xf32, #tpu.memory_space<vmem>>, vector<2048x1xf32>
    tpu.vector_store %arg8[%swap3A_33, %swap3A_34], %div3A_32 {strides = array<i32>} : memref<2048x1xf32, #tpu.memory_space<vmem>>, vector<2048x1xf32>,
    %convert_element_type3A = arith.extui %eq3A_14 : vector<2048x8xi1> to vector<2048x8xi32>
    %convert_element_type3A_36 = arith.sitofp %convert_element_type3A : vector<2048x8xi32> to vector<2048x8xf32>
    %convert_element_type3A_37 = arith.extui %eq3A_22 : vector<2048x8xi1> to vector<2048x8xi32>
    %convert_element_type3A_38 = arith.sitofp %convert_element_type3A_37 : vector<2048x8xi32> to vector<2048x8xf32>
    %get3A_39 = arith.constant 0 : index
    %get3A_40 = arith.constant 0 : index
    %get3A_41 = vector.load %arg3[%get3A_39, %get3A_40] : memref<512x512xbf16, #tpu.memory_space<vmem>>, vector<512x512xbf16>
    %broadcast_in_dim3A_42 = arith.constant 0.000000e+00 : f32
    %broadcast_in_dim3A_43 = vector.broadcast %broadcast_in_dim3A_42 : f32 to vector<1x8xf32>
    %slice3A = vector.extract_strided_slice %convert_element_type3A_36 {offsets = [0, 0], sizes = [512, 8], strides = [1, 1]} : vector<2048x8xf32> to vector<512x8xf32>
    %convert_element_type3A_44 = arith.truncf %slice3A : vector<512x8xf32> to vector<512x8xbf16>
    %dot_general3A_45 = arith.constant dense<0.000000e+00> : vector<512x8xf32>
    %dot_general3A_46 = tpu.matmul %get3A_41, %convert_element_type3A_44, %dot_general3A_45 {dimension_numbers = #tpu.dot_dimension_numbers<[1], [0], [0], [1], [0, 0, 1, 1], [], []>, transpose_lhs_hint = false} : vector<512x512xbf16>, vector<512x8xbf16>, vector<512x8xf32> -> vector<512x8xf32>
    %add3A_47 = vector.broadcast %broadcast_in_dim3A_43 : vector<1x8xf32> to vector<512x8xf32>
    %add3A_48 = arith.addf %dot_general3A_46, %add3A_47 : vector<512x8xf32>
    %reduce_sum3A_49 = arith.constant dense<0.000000e+00> : vector<8xf32>
    %reduce_sum3A_50 = vector.multi_reduction <add>, %slice3A, %reduce_sum3A_49 [0] : vector<512x8xf32> to vector<8xf32>
    %broadcast_in_dim3A_51 = vector.shape_cast %reduce_sum3A_50 : vector<8xf32> to vector<1x8xf32>
    %add3A_52 = arith.addf %broadcast_in_dim3A_43, %broadcast_in_dim3A_51 : vector<1x8xf32>
    %slice3A_53 = vector.extract_strided_slice %convert_element_type3A_36 {offsets = [512, 0], sizes = [512, 8], strides = [1, 1]} : vector<2048x8xf32> to vector<512x8xf32>
    %convert_element_type3A_54 = arith.truncf %slice3A_53 : vector<512x8xf32> to vector<512x8xbf16>
    %dot_general3A_55 = arith.constant dense<0.000000e+00> : vector<512x8xf32>
    %dot_general3A_56 = tpu.matmul %get3A_41, %convert_element_type3A_54, %dot_general3A_55 {dimension_numbers = #tpu.dot_dimension_numbers<[1], [0], [0], [1], [0, 0, 1, 1], [], []>, transpose_lhs_hint = false} : vector<512x512xbf16>, vector<512x8xbf16>, vector<512x8xf32> -> vector<512x8xf32>
    %add3A_57 = vector.broadcast %add3A_52 : vector<1x8xf32> to vector<512x8xf32>
    %add3A_58 = arith.addf %dot_general3A_56, %add3A_57 : vector<512x8xf32>
    %reduce_sum3A_59 = arith.constant dense<0.000000e+00> : vector<8xf32>
    %reduce_sum3A_60 = vector.multi_reduction <add>, %slice3A_53, %reduce_sum3A_59 [0] : vector<512x8xf32> to vector<8xf32>
    %broadcast_in_dim3A_61 = vector.shape_cast %reduce_sum3A_60 : vector<8xf32> to vector<1x8xf32>
    %add3A_62 = arith.addf %add3A_52, %broadcast_in_dim3A_61 : vector<1x8xf32>
    %slice3A_63 = vector.extract_strided_slice %convert_element_type3A_36 {offsets = [1024, 0], sizes = [512, 8], strides = [1, 1]} : vector<2048x8xf32> to vector<512x8xf32>
    %convert_element_type3A_64 = arith.truncf %slice3A_63 : vector<512x8xf32> to vector<512x8xbf16>
    %dot_general3A_65 = arith.constant dense<0.000000e+00> : vector<512x8xf32>
    %dot_general3A_66 = tpu.matmul %get3A_41, %convert_element_type3A_64, %dot_general3A_65 {dimension_numbers = #tpu.dot_dimension_numbers<[1], [0], [0], [1], [0, 0, 1, 1], [], []>, transpose_lhs_hint = false} : vector<512x512xbf16>, vector<512x8xbf16>, vector<512x8xf32> -> vector<512x8xf32>
    %add3A_67 = vector.broadcast %add3A_62 : vector<1x8xf32> to vector<512x8xf32>
    %add3A_68 = arith.addf %dot_general3A_66, %add3A_67 : vector<512x8xf32>
    %reduce_sum3A_69 = arith.constant dense<0.000000e+00> : vector<8xf32>
    %reduce_sum3A_70 = vector.multi_reduction <add>, %slice3A_63, %reduce_sum3A_69 [0] : vector<512x8xf32> to vector<8xf32>
    %broadcast_in_dim3A_71 = vector.shape_cast %reduce_sum3A_70 : vector<8xf32> to vector<1x8xf32>
    %add3A_72 = arith.addf %add3A_62, %broadcast_in_dim3A_71 : vector<1x8xf32>
    %slice3A_73 = vector.extract_strided_slice %convert_element_type3A_36 {offsets = [1536, 0], sizes = [512, 8], strides = [1, 1]} : vector<2048x8xf32> to vector<512x8xf32>
    %convert_element_type3A_74 = arith.truncf %slice3A_73 : vector<512x8xf32> to vector<512x8xbf16>
    %dot_general3A_75 = arith.constant dense<0.000000e+00> : vector<512x8xf32>
    %dot_general3A_76 = tpu.matmul %get3A_41, %convert_element_type3A_74, %dot_general3A_75 {dimension_numbers = #tpu.dot_dimension_numbers<[1], [0], [0], [1], [0, 0, 1, 1], [], []>, transpose_lhs_hint = false} : vector<512x512xbf16>, vector<512x8xbf16>, vector<512x8xf32> -> vector<512x8xf32>
    %add3A_77 = vector.broadcast %add3A_72 : vector<1x8xf32> to vector<512x8xf32>
    %add3A_78 = arith.addf %dot_general3A_76, %add3A_77 : vector<512x8xf32>
    %reduce_sum3A_79 = arith.constant dense<0.000000e+00> : vector<8xf32>
    %reduce_sum3A_80 = vector.multi_reduction <add>, %slice3A_73, %reduce_sum3A_79 [0] : vector<512x8xf32> to vector<8xf32>
    %broadcast_in_dim3A_81 = vector.shape_cast %reduce_sum3A_80 : vector<8xf32> to vector<1x8xf32>
    %add3A_82 = arith.addf %add3A_72, %broadcast_in_dim3A_81 : vector<1x8xf32>
    %slice3A_83 = vector.extract_strided_slice %convert_element_type3A_38 {offsets = [0, 0], sizes = [512, 8], strides = [1, 1]} : vector<2048x8xf32> to vector<512x8xf32>
    %convert_element_type3A_84 = arith.truncf %slice3A_83 : vector<512x8xf32> to vector<512x8xbf16>
    %dot_general3A_85 = arith.constant dense<0.000000e+00> : vector<512x8xf32>
    %dot_general3A_86 = tpu.matmul %get3A_41, %convert_element_type3A_84, %dot_general3A_85 {dimension_numbers = #tpu.dot_dimension_numbers<[1], [0], [0], [1], [0, 0, 1, 1], [], []>, transpose_lhs_hint = false} : vector<512x512xbf16>, vector<512x8xbf16>, vector<512x8xf32> -> vector<512x8xf32>
    %add3A_87 = vector.broadcast %add3A_82 : vector<1x8xf32> to vector<512x8xf32>
    %add3A_88 = arith.addf %dot_general3A_86, %add3A_87 : vector<512x8xf32>
    %reduce_sum3A_89 = arith.constant dense<0.000000e+00> : vector<8xf32>
    %reduce_sum3A_90 = vector.multi_reduction <add>, %slice3A_83, %reduce_sum3A_89 [0] : vector<512x8xf32> to vector<8xf32>
    %broadcast_in_dim3A_91 = vector.shape_cast %reduce_sum3A_90 : vector<8xf32> to vector<1x8xf32>
    %add3A_92 = arith.addf %add3A_82, %broadcast_in_dim3A_91 : vector<1x8xf32>
    %slice3A_93 = vector.extract_strided_slice %convert_element_type3A_38 {offsets = [512, 0], sizes = [512, 8], strides = [1, 1]} : vector<2048x8xf32> to vector<512x8xf32>
    %convert_element_type3A_94 = arith.truncf %slice3A_93 : vector<512x8xf32> to vector<512x8xbf16>
    %dot_general3A_95 = arith.constant dense<0.000000e+00> : vector<512x8xf32>
    %dot_general3A_96 = tpu.matmul %get3A_41, %convert_element_type3A_94, %dot_general3A_95 {dimension_numbers = #tpu.dot_dimension_numbers<[1], [0], [0], [1], [0, 0, 1, 1], [], []>, transpose_lhs_hint = false} : vector<512x512xbf16>, vector<512x8xbf16>, vector<512x8xf32> -> vector<512x8xf32>
    %add3A_97 = vector.broadcast %add3A_92 : vector<1x8xf32> to vector<512x8xf32>
    %add3A_98 = arith.addf %dot_general3A_96, %add3A_97 : vector<512x8xf32>
    %reduce_sum3A_99 = arith.constant dense<0.000000e+00> : vector<8xf32>
    %reduce_sum3A_100 = vector.multi_reduction <add>, %slice3A_93, %reduce_sum3A_99 [0] : vector<512x8xf32> to vector<8xf32>
    %broadcast_in_dim3A_101 = vector.shape_cast %reduce_sum3A_100 : vector<8xf32> to vector<1x8xf32>
    %add3A_102 = arith.addf %add3A_92, %broadcast_in_dim3A_101 : vector<1x8xf32>
    %slice3A_103 = vector.extract_strided_slice %convert_element_type3A_38 {offsets = [1024, 0], sizes = [512, 8], strides = [1, 1]} : vector<2048x8xf32> to vector<512x8xf32>
    %convert_element_type3A_104 = arith.truncf %slice3A_103 : vector<512x8xf32> to vector<512x8xbf16>
    %dot_general3A_105 = arith.constant dense<0.000000e+00> : vector<512x8xf32>
    %dot_general3A_106 = tpu.matmul %get3A_41, %convert_element_type3A_104, %dot_general3A_105 {dimension_numbers = #tpu.dot_dimension_numbers<[1], [0], [0], [1], [0, 0, 1, 1], [], []>, transpose_lhs_hint = false} : vector<512x512xbf16>, vector<512x8xbf16>, vector<512x8xf32> -> vector<512x8xf32>
    %add3A_107 = vector.broadcast %add3A_102 : vector<1x8xf32> to vector<512x8xf32>
    %add3A_108 = arith.addf %dot_general3A_106, %add3A_107 : vector<512x8xf32>
    %reduce_sum3A_109 = arith.constant dense<0.000000e+00> : vector<8xf32>
    %reduce_sum3A_110 = vector.multi_reduction <add>, %slice3A_103, %reduce_sum3A_109 [0] : vector<512x8xf32> to vector<8xf32>
    %broadcast_in_dim3A_111 = vector.shape_cast %reduce_sum3A_110 : vector<8xf32> to vector<1x8xf32>
    %add3A_112 = arith.addf %add3A_102, %broadcast_in_dim3A_111 : vector<1x8xf32>
    %slice3A_113 = vector.extract_strided_slice %convert_element_type3A_38 {offsets = [1536, 0], sizes = [512, 8], strides = [1, 1]} : vector<2048x8xf32> to vector<512x8xf32>
    %convert_element_type3A_114 = arith.truncf %slice3A_113 : vector<512x8xf32> to vector<512x8xbf16>
    %dot_general3A_115 = arith.constant dense<0.000000e+00> : vector<512x8xf32>
    %dot_general3A_116 = tpu.matmul %get3A_41, %convert_element_type3A_114, %dot_general3A_115 {dimension_numbers = #tpu.dot_dimension_numbers<[1], [0], [0], [1], [0, 0, 1, 1], [], []>, transpose_lhs_hint = false} : vector<512x512xbf16>, vector<512x8xbf16>, vector<512x8xf32> -> vector<512x8xf32>
    %add3A_117 = vector.broadcast %add3A_112 : vector<1x8xf32> to vector<512x8xf32>
    %add3A_118 = arith.addf %dot_general3A_116, %add3A_117 : vector<512x8xf32>
    %concatenate3A = tpu.concatenate %add3A_48, %add3A_58, %add3A_68, %add3A_78 in 0 : vector<512x8xf32>, vector<512x8xf32>, vector<512x8xf32>, vector<512x8xf32> -> vector<2048x8xf32>
    %concatenate3A_119 = tpu.concatenate %add3A_88, %add3A_98, %add3A_108, %add3A_118 in 0 : vector<512x8xf32>, vector<512x8xf32>, vector<512x8xf32>, vector<512x8xf32> -> vector<2048x8xf32>
    %broadcast_in_dim3A_120 = arith.constant 1.000000e+00 : f32
    %broadcast_in_dim3A_121 = vector.broadcast %broadcast_in_dim3A_120 : f32 to vector<2048x1xf32>
    %add3A_122 = arith.addf %convert_element_type3A_36, %convert_element_type3A_38 : vector<2048x8xf32>
    %dot_general3A_123 = arith.constant dense<0.000000e+00> : vector<8x1xf32>
    %dot_general3A_124 = tpu.matmul %add3A_122, %broadcast_in_dim3A_121, %dot_general3A_123 {dimension_numbers = #tpu.dot_dimension_numbers<[0], [0], [1], [1], [0, 1, 1, 1], [], []>, transpose_lhs_hint = false} : vector<2048x8xf32>, vector<2048x1xf32>, vector<8x1xf32> -> vector<8x1xf32>
    %div3A_125 = arith.constant 2.560000e+02 : f32
    %div3A_126 = vector.broadcast %div3A_125 : f32 to vector<8x1xf32>
    %div3A_127 = arith.divf %dot_general3A_124, %div3A_126 : vector<8x1xf32>
    %ceil3A = math.ceil %div3A_127 : vector<8x1xf32>
    %mul3A = arith.constant 2.560000e+02 : f32
    %mul3A_128 = vector.broadcast %mul3A : f32 to vector<8x1xf32>
    %mul3A_129 = arith.mulf %ceil3A, %mul3A_128 : vector<8x1xf32>
    %get3A_130 = arith.constant 0 : index
    %get3A_131 = arith.constant 0 : index
    %get3A_132 = vector.load %arg4[%get3A_130, %get3A_131] : memref<8x8xf32, #tpu.memory_space<vmem>>, vector<8x8xf32>
    %dot_general3A_133 = arith.constant dense<0.000000e+00> : vector<8x1xf32>
    %dot_general3A_134 = tpu.matmul %get3A_132, %mul3A_129, %dot_general3A_133 {dimension_numbers = #tpu.dot_dimension_numbers<[1], [0], [0], [1], [0, 0, 1, 1], [], []>, transpose_lhs_hint = false} : vector<8x8xf32>, vector<8x1xf32>, vector<8x1xf32> -> vector<8x1xf32>
    %sub3A_135 = arith.subf %dot_general3A_134, %mul3A_129 : vector<8x1xf32>
    %dot_general3A_136 = arith.constant dense<0.000000e+00> : vector<2048x1xf32>
    %dot_general3A_137 = tpu.matmul %convert_element_type3A_36, %sub3A_135, %dot_general3A_136 {dimension_numbers = #tpu.dot_dimension_numbers<[1], [0], [0], [1], [0, 0, 1, 1], [], []>, transpose_lhs_hint = false} : vector<2048x8xf32>, vector<8x1xf32>, vector<2048x1xf32> -> vector<2048x1xf32>
    %dot_general3A_138 = arith.constant dense<0.000000e+00> : vector<2048x1xf32>
    %dot_general3A_139 = tpu.matmul %convert_element_type3A_38, %sub3A_135, %dot_general3A_138 {dimension_numbers = #tpu.dot_dimension_numbers<[1], [0], [0], [1], [0, 0, 1, 1], [], []>, transpose_lhs_hint = false} : vector<2048x8xf32>, vector<8x1xf32>, vector<2048x1xf32> -> vector<2048x1xf32>
    %mul3A_140 = arith.mulf %convert_element_type3A_36, %concatenate3A : vector<2048x8xf32>
    %reduce_sum3A_141 = arith.constant dense<0.000000e+00> : vector<2048xf32>
    %reduce_sum3A_142 = vector.multi_reduction <add>, %mul3A_140, %reduce_sum3A_141 [1] : vector<2048x8xf32> to vector<2048xf32>
    %broadcast_in_dim3A_143 = vector.shape_cast %reduce_sum3A_142 : vector<2048xf32> to vector<2048x1xf32>
    %mul3A_144 = arith.mulf %convert_element_type3A_38, %concatenate3A_119 : vector<2048x8xf32>
    %reduce_sum3A_145 = arith.constant dense<0.000000e+00> : vector<2048xf32>
    %reduce_sum3A_146 = vector.multi_reduction <add>, %mul3A_144, %reduce_sum3A_145 [1] : vector<2048x8xf32> to vector<2048xf32>
    %broadcast_in_dim3A_147 = vector.shape_cast %reduce_sum3A_146 : vector<2048xf32> to vector<2048x1xf32>
    %add3A_148 = arith.addf %dot_general3A_137, %broadcast_in_dim3A_143 : vector<2048x1xf32>
    %convert_element_type3A_149 = arith.fptosi %add3A_148 : vector<2048x1xf32> to vector<2048x1xi32>
    %swap3A_150 = arith.constant 0 : index
    %swap3A_151 = arith.constant 0 : index
    %swap3A_152 = vector.load %arg5[%swap3A_150, %swap3A_151] : memref<2048x1xi32, #tpu.memory_space<vmem>>, vector<2048x1xi32>
    tpu.vector_store %arg5[%swap3A_150, %swap3A_151], %convert_element_type3A_149 {strides = array<i32>} : memref<2048x1xi32, #tpu.memory_space<vmem>>, vector<2048x1xi32>,
    %add3A_153 = arith.addf %dot_general3A_139, %broadcast_in_dim3A_147 : vector<2048x1xf32>
    %convert_element_type3A_154 = arith.fptosi %add3A_153 : vector<2048x1xf32> to vector<2048x1xi32>
    %swap3A_155 = arith.constant 0 : index
    %swap3A_156 = arith.constant 0 : index
    %swap3A_157 = vector.load %arg6[%swap3A_155, %swap3A_156] : memref<2048x1xi32, #tpu.memory_space<vmem>>, vector<2048x1xi32>
    tpu.vector_store %arg6[%swap3A_155, %swap3A_156], %convert_element_type3A_154 {strides = array<i32>} : memref<2048x1xi32, #tpu.memory_space<vmem>>, vector<2048x1xi32>,
    %iota3A_158 = tpu.iota {dimensions = array<i32: 1>} : vector<8x64xi32>
    %convert_element_type3A_159 = arith.sitofp %iota3A_158 : vector<8x64xi32> to vector<8x64xf32>
    %mul3A_160 = arith.constant 2.560000e+02 : f32
    %mul3A_161 = vector.broadcast %mul3A_160 : f32 to vector<8x64xf32>
    %mul3A_162 = arith.mulf %convert_element_type3A_159, %mul3A_161 : vector<8x64xf32>
    %le3A = vector.broadcast %dot_general3A_134 : vector<8x1xf32> to vector<8x64xf32>
    %le3A_163 = arith.cmpf ole, %le3A, %mul3A_162 : vector<8x64xf32>
    %convert_element_type3A_164 = arith.extui %le3A_163 : vector<8x64xi1> to vector<8x64xi32>
    %convert_element_type3A_165 = arith.sitofp %convert_element_type3A_164 : vector<8x64xi32> to vector<8x64xf32>
    %broadcast_in_dim3A_166 = arith.constant 1.000000e+00 : f32
    %broadcast_in_dim3A_167 = vector.broadcast %broadcast_in_dim3A_166 : f32 to vector<1x8xf32>
    %dot_general3A_168 = arith.constant dense<0.000000e+00> : vector<1x64xf32>
    %dot_general3A_169 = tpu.matmul %broadcast_in_dim3A_167, %convert_element_type3A_165, %dot_general3A_168 {dimension_numbers = #tpu.dot_dimension_numbers<[1], [0], [0], [1], [0, 0, 1, 1], [], []>, transpose_lhs_hint = false} : vector<1x8xf32>, vector<8x64xf32>, vector<1x64xf32> -> vector<1x64xf32>
    %min3A = arith.constant 7.000000e+00 : f32
    %min3A_170 = vector.broadcast %min3A : f32 to vector<1x64xf32>
    %min3A_171 = arith.minimumf %dot_general3A_169, %min3A_170 : vector<1x64xf32>
    %iota3A_172 = tpu.iota {dimensions = array<i32: 1>} : vector<1x64xi32>
    %convert_element_type3A_173 = arith.fptosi %min3A_171 : vector<1x64xf32> to vector<1x64xi32>
    %iota3A_174 = tpu.iota {dimensions = array<i32: 1>} : vector<1x8xi32>
    %eq3A_175 = arith.constant 7 : i32
    %eq3A_176 = vector.broadcast %eq3A_175 : i32 to vector<1x8xi32>
    %eq3A_177 = arith.cmpi eq, %iota3A_174, %eq3A_176 : vector<1x8xi32>
    %convert_element_type3A_178 = arith.extui %eq3A_177 : vector<1x8xi1> to vector<1x8xi32>
    %convert_element_type3A_179 = arith.sitofp %convert_element_type3A_178 : vector<1x8xi32> to vector<1x8xf32>
    %dot_general3A_180 = arith.constant dense<0.000000e+00> : vector<1x1xf32>
    %dot_general3A_181 = tpu.matmul %convert_element_type3A_179, %dot_general3A_134, %dot_general3A_180 {dimension_numbers = #tpu.dot_dimension_numbers<[1], [0], [0], [1], [0, 0, 1, 1], [], []>, transpose_lhs_hint = false} : vector<1x8xf32>, vector<8x1xf32>, vector<1x1xf32> -> vector<1x1xf32>
    %div3A_182 = arith.constant 2.560000e+02 : f32
    %div3A_183 = vector.broadcast %div3A_182 : f32 to vector<1x1xf32>
    %div3A_184 = arith.divf %dot_general3A_181, %div3A_183 : vector<1x1xf32>
    %eq3A_185 = arith.constant 24 : i32
    %eq3A_186 = vector.broadcast %eq3A_185 : i32 to vector<1x64xi32>
    %eq3A_187 = arith.cmpi eq, %iota3A_172, %eq3A_186 : vector<1x64xi32>
    %convert_element_type3A_188 = arith.fptosi %div3A_184 : vector<1x1xf32> to vector<1x1xi32>
    %broadcast_in_dim3A_189 = vector.shape_cast %convert_element_type3A_188 : vector<1x1xi32> to vector<1x1xi32>
    %broadcast_in_dim3A_190 = vector.broadcast %broadcast_in_dim3A_189 : vector<1x1xi32> to vector<1x64xi32>
    %select_n3A_191 = arith.select %eq3A_187, %broadcast_in_dim3A_190, %convert_element_type3A_173 : vector<1x64xi1>, vector<1x64xi32>
    %swap3A_192 = arith.constant 0 : index
    %swap3A_193 = arith.constant 0 : index
    %swap3A_194 = vector.load %arg9[%swap3A_192, %swap3A_193] : memref<1x64xi32, #tpu.memory_space<vmem>>, vector<1x64xi32>
    tpu.vector_store %arg9[%swap3A_192, %swap3A_193], %select_n3A_191 {strides = array<i32>} : memref<1x64xi32, #tpu.memory_space<vmem>>, vector<1x64xi32>,
    return
  }
  func.func @transform_0(%arg0: i32) -> (i32, i32) {
    %c0_i32 = arith.constant 0 : i32
    %c0_i32_0 = arith.constant 0 : i32
    %c0_i32_1 = arith.constant 0 : i32
    return %c0_i32, %c0_i32_0 : i32, i32
  }
  func.func @transform_1(%arg0: i32) -> (i32, i32) {
    %c0_i32 = arith.constant 0 : i32
    %c0_i32_0 = arith.constant 0 : i32
    %c0_i32_1 = arith.constant 0 : i32
    return %c0_i32, %c0_i32_0 : i32, i32
  }
  func.func @transform_2(%arg0: i32) -> (i32, i32) {
    %c0_i32 = arith.constant 0 : i32
    %c0_i32_0 = arith.constant 0 : i32
    %c0_i32_1 = arith.constant 0 : i32
    return %c0_i32, %c0_i32_0 : i32, i32
  }
  func.func @transform_3(%arg0: i32) -> (i32, i32) {
    %c0_i32 = arith.constant 0 : i32
    %c0_i32_0 = arith.constant 0 : i32
    %c0_i32_1 = arith.constant 0 : i32
    return %c0_i32, %c0_i32_0 : i32, i32
  }
  func.func @transform_4(%arg0: i32) -> (i32, i32) {
    %c0_i32 = arith.constant 0 : i32
    %c0_i32_0 = arith.constant 0 : i32
    %c0_i32_1 = arith.constant 0 : i32
    return %c0_i32, %c0_i32_0 : i32, i32
  }
  func.func @transform_5(%arg0: i32) -> (i32, i32) {
    %c0_i32 = arith.constant 0 : i32
    %c0_i32_0 = arith.constant 0 : i32
    %c0_i32_1 = arith.constant 0 : i32
    return %c0_i32, %c0_i32_0 : i32, i32
  }
  func.func @transform_6(%arg0: i32) -> (i32, i32) {
    %c0_i32 = arith.constant 0 : i32
    %c0_i32_0 = arith.constant 0 : i32
    %c0_i32_1 = arith.constant 0 : i32
    return %c0_i32, %c0_i32_0 : i32, i32
  }
  func.func @transform_7(%arg0: i32) -> (i32, i32) {
    %c0_i32 = arith.constant 0 : i32
    %c0_i32_0 = arith.constant 0 : i32
    %c0_i32_1 = arith.constant 0 : i32
    return %c0_i32, %c0_i32_0 : i32, i32
  }
  func.func @transform_8(%arg0: i32) -> (i32, i32) {
    %c0_i32 = arith.constant 0 : i32
    %c0_i32_0 = arith.constant 0 : i32
    %c0_i32_1 = arith.constant 0 : i32
    return %c0_i32, %c0_i32_0 : i32, i32
  }
}

module attributes {stable_mosaic.version = 14 : i64} {
  func.func @_shared_body(%arg0: i32, %arg1: i32, %arg2: memref<2048x768xbf16, #tpu.memory_space<vmem>>, %arg3: memref<1x768x768xbf16, #tpu.memory_space<vmem>>, %arg4: memref<1x768x768xbf16, #tpu.memory_space<vmem>>, %arg5: memref<1x768x768xbf16, #tpu.memory_space<vmem>>, %arg6: memref<2048x768xf32, #tpu.memory_space<vmem>>) attributes {dimension_semantics = [#tpu.dimension_semantics<arbitrary>, #tpu.dimension_semantics<arbitrary>], iteration_bounds = array<i64: 2, 2>, scalar_prefetch = 0 : i64, scratch_operands = 0 : i64, tpu.core_type = #tpu.core_type<tc>, window_params = [{pipeline_mode = #tpu.pipeline_mode<synchronous>, transform_indices = @transform_0, window_bounds = array<i64: 2048, 768>}, {transform_indices = @transform_1, window_bounds = array<i64: 1, 768, 768>}, {transform_indices = @transform_2, window_bounds = array<i64: 1, 768, 768>}, {transform_indices = @transform_3, window_bounds = array<i64: 1, 768, 768>}, {pipeline_mode = #tpu.pipeline_mode<synchronous>, transform_indices = @transform_4, window_bounds = array<i64: 2048, 768>}]} {
    %get3A = arith.constant 0 : index
    %get3A_0 = arith.constant 0 : index
    %get3A_1 = vector.load %arg2[%get3A, %get3A_0] : memref<2048x768xbf16, #tpu.memory_space<vmem>>, vector<2048x768xbf16>
    %get3A_2 = arith.constant 0 : index
    %get3A_3 = arith.constant 0 : index
    %get3A_4 = arith.constant 0 : index
    %get3A_5 = vector.load %arg3[%get3A_2, %get3A_3, %get3A_4] : memref<1x768x768xbf16, #tpu.memory_space<vmem>>, vector<1x768x768xbf16>
    %get3A_6 = vector.shape_cast %get3A_5 : vector<1x768x768xbf16> to vector<768x768xbf16>
    %dot_general3A = arith.constant dense<0.000000e+00> : vector<2048x768xf32>
    %dot_general3A_7 = tpu.matmul %get3A_1, %get3A_6, %dot_general3A {dimension_numbers = #tpu.dot_dimension_numbers<[1], [1], [0], [0], [0, 0, 1, 0], [], []>, transpose_lhs_hint = false} : vector<2048x768xbf16>, vector<768x768xbf16>, vector<2048x768xf32> -> vector<2048x768xf32>
    %get3A_8 = arith.constant 0 : index
    %get3A_9 = arith.constant 0 : index
    %get3A_10 = arith.constant 0 : index
    %get3A_11 = vector.load %arg4[%get3A_8, %get3A_9, %get3A_10] : memref<1x768x768xbf16, #tpu.memory_space<vmem>>, vector<1x768x768xbf16>
    %get3A_12 = vector.shape_cast %get3A_11 : vector<1x768x768xbf16> to vector<768x768xbf16>
    %dot_general3A_13 = arith.constant dense<0.000000e+00> : vector<2048x768xf32>
    %dot_general3A_14 = tpu.matmul %get3A_1, %get3A_12, %dot_general3A_13 {dimension_numbers = #tpu.dot_dimension_numbers<[1], [1], [0], [0], [0, 0, 1, 0], [], []>, transpose_lhs_hint = false} : vector<2048x768xbf16>, vector<768x768xbf16>, vector<2048x768xf32> -> vector<2048x768xf32>
    %logistic3A = arith.negf %dot_general3A_7 : vector<2048x768xf32>
    %logistic3A_15 = math.exp %logistic3A : vector<2048x768xf32>
    %logistic3A_16 = arith.constant 1.000000e+00 : f32
    %logistic3A_17 = vector.broadcast %logistic3A_16 : f32 to vector<2048x768xf32>
    %logistic3A_18 = arith.addf %logistic3A_17, %logistic3A_15 : vector<2048x768xf32>
    %logistic3A_19 = arith.divf %logistic3A_17, %logistic3A_18 : vector<2048x768xf32>
    %mul3A = arith.mulf %dot_general3A_7, %logistic3A_19 : vector<2048x768xf32>
    %mul3A_20 = arith.mulf %mul3A, %dot_general3A_14 : vector<2048x768xf32>
    %mul3A_21 = arith.constant 5.000000e-01 : f32
    %mul3A_22 = vector.broadcast %mul3A_21 : f32 to vector<2048x768xf32>
    %mul3A_23 = arith.mulf %mul3A_20, %mul3A_22 : vector<2048x768xf32>
    %convert_element_type3A = arith.truncf %mul3A_23 : vector<2048x768xf32> to vector<2048x768xbf16>
    %get3A_24 = arith.constant 0 : index
    %get3A_25 = arith.constant 0 : index
    %get3A_26 = arith.constant 0 : index
    %get3A_27 = vector.load %arg5[%get3A_24, %get3A_25, %get3A_26] : memref<1x768x768xbf16, #tpu.memory_space<vmem>>, vector<1x768x768xbf16>
    %get3A_28 = vector.shape_cast %get3A_27 : vector<1x768x768xbf16> to vector<768x768xbf16>
    %dot_general3A_29 = arith.constant dense<0.000000e+00> : vector<2048x768xf32>
    %dot_general3A_30 = tpu.matmul %convert_element_type3A, %get3A_28, %dot_general3A_29 {dimension_numbers = #tpu.dot_dimension_numbers<[1], [1], [0], [0], [0, 0, 1, 0], [], []>, transpose_lhs_hint = false} : vector<2048x768xbf16>, vector<768x768xbf16>, vector<2048x768xf32> -> vector<2048x768xf32>
    %eq3A = arith.constant 0 : i32
    %eq3A_31 = arith.cmpi eq, %arg0, %eq3A : i32
    %eq3A_32 = arith.constant 0 : i32
    %eq3A_33 = arith.cmpi eq, %arg1, %eq3A_32 : i32
    %and3A = arith.andi %eq3A_31, %eq3A_33 : i1
    %convert_element_type3A_34 = arith.extui %and3A : i1 to i32
    %cond3A = arith.constant 0 : i32
    %cond3A_35 = arith.cmpi ne, %convert_element_type3A_34, %cond3A : i32
    scf.if %cond3A_35 {
      %swap3A = arith.constant 0 : index
      %swap3A_42 = arith.constant 0 : index
      %swap3A_43 = vector.load %arg6[%swap3A, %swap3A_42] : memref<2048x768xf32, #tpu.memory_space<vmem>>, vector<2048x768xf32>
      tpu.vector_store %arg6[%swap3A, %swap3A_42], %dot_general3A_30 {strides = array<i32>} : memref<2048x768xf32, #tpu.memory_space<vmem>>, vector<2048x768xf32>,
    } else {
    }
    %gt3A = arith.constant 0 : i32
    %gt3A_36 = arith.cmpi sgt, %arg0, %gt3A : i32
    %gt3A_37 = arith.constant 0 : i32
    %gt3A_38 = arith.cmpi sgt, %arg1, %gt3A_37 : i32
    %or3A = arith.ori %gt3A_36, %gt3A_38 : i1
    %convert_element_type3A_39 = arith.extui %or3A : i1 to i32
    %cond3A_40 = arith.constant 0 : i32
    %cond3A_41 = arith.cmpi ne, %convert_element_type3A_39, %cond3A_40 : i32
    scf.if %cond3A_41 {
      %get3A_42 = arith.constant 0 : index
      %get3A_43 = arith.constant 0 : index
      %get3A_44 = vector.load %arg6[%get3A_42, %get3A_43] : memref<2048x768xf32, #tpu.memory_space<vmem>>, vector<2048x768xf32>
      %add3A = arith.addf %get3A_44, %dot_general3A_30 : vector<2048x768xf32>
      %swap3A = arith.constant 0 : index
      %swap3A_45 = arith.constant 0 : index
      %swap3A_46 = vector.load %arg6[%swap3A, %swap3A_45] : memref<2048x768xf32, #tpu.memory_space<vmem>>, vector<2048x768xf32>
      tpu.vector_store %arg6[%swap3A, %swap3A_45], %add3A {strides = array<i32>} : memref<2048x768xf32, #tpu.memory_space<vmem>>, vector<2048x768xf32>,
    } else {
    }
    return
  }
  func.func @transform_0(%arg0: i32, %arg1: i32) -> (i32, i32) {
    %c0_i32 = arith.constant 0 : i32
    %c0_i32_0 = arith.constant 0 : i32
    %c0_i32_1 = arith.constant 0 : i32
    return %c0_i32, %c0_i32_0 : i32, i32
  }
  func.func @transform_1(%arg0: i32, %arg1: i32) -> (i32, i32, i32) {
    %c0_i32 = arith.constant 0 : i32
    %c0_i32_0 = arith.constant 0 : i32
    return %arg0, %arg1, %c0_i32 : i32, i32, i32
  }
  func.func @transform_2(%arg0: i32, %arg1: i32) -> (i32, i32, i32) {
    %c0_i32 = arith.constant 0 : i32
    %c0_i32_0 = arith.constant 0 : i32
    return %arg0, %arg1, %c0_i32 : i32, i32, i32
  }
  func.func @transform_3(%arg0: i32, %arg1: i32) -> (i32, i32, i32) {
    %c0_i32 = arith.constant 0 : i32
    %c0_i32_0 = arith.constant 0 : i32
    return %arg0, %c0_i32, %arg1 : i32, i32, i32
  }
  func.func @transform_4(%arg0: i32, %arg1: i32) -> (i32, i32) {
    %c0_i32 = arith.constant 0 : i32
    %c0_i32_0 = arith.constant 0 : i32
    %c0_i32_1 = arith.constant 0 : i32
    return %c0_i32, %c0_i32_0 : i32, i32
  }
}

module attributes {stable_mosaic.version = 14 : i64} {
  func.func @_gmm_body(%arg0: i32, %arg1: i32, %arg2: memref<64xi32, #tpu.memory_space<smem>>, %arg3: memref<256x768xf32, #tpu.memory_space<vmem>>, %arg4: memref<256x1xf32, #tpu.memory_space<vmem>>, %arg5: memref<1x768x768xbf16, #tpu.memory_space<vmem>>, %arg6: memref<1x768x768xbf16, #tpu.memory_space<vmem>>, %arg7: memref<1x768x768xbf16, #tpu.memory_space<vmem>>, %arg8: memref<256x768xf32, #tpu.memory_space<vmem>>) attributes {dimension_semantics = [#tpu.dimension_semantics<arbitrary>, #tpu.dimension_semantics<arbitrary>], iteration_bounds = array<i64: 24, 2>, scalar_prefetch = 1 : i64, scratch_operands = 0 : i64, tpu.core_type = #tpu.core_type<tc>, window_params = [{transform_indices = @transform_0, window_bounds = array<i64: 256, 768>}, {transform_indices = @transform_1, window_bounds = array<i64: 256, 1>}, {transform_indices = @transform_2, window_bounds = array<i64: 1, 768, 768>}, {transform_indices = @transform_3, window_bounds = array<i64: 1, 768, 768>}, {transform_indices = @transform_4, window_bounds = array<i64: 1, 768, 768>}, {transform_indices = @transform_5, window_bounds = array<i64: 256, 768>}]} {
    %get3A = arith.constant 24 : index
    %get3A_0 = memref.load %arg2[%get3A] : memref<64xi32, #tpu.memory_space<smem>>
    %lt3A = arith.cmpi slt, %arg0, %get3A_0 : i32
    %convert_element_type3A = arith.extui %lt3A : i1 to i32
    %cond3A = arith.constant 0 : i32
    %cond3A_1 = arith.cmpi ne, %convert_element_type3A, %cond3A : i32
    scf.if %cond3A_1 {
      %get3A_2 = arith.constant 0 : index
      %get3A_3 = arith.constant 0 : index
      %get3A_4 = vector.load %arg3[%get3A_2, %get3A_3] : memref<256x768xf32, #tpu.memory_space<vmem>>, vector<256x768xf32>
      %convert_element_type3A_5 = arith.truncf %get3A_4 : vector<256x768xf32> to vector<256x768xbf16>
      %get3A_6 = arith.constant 0 : index
      %get3A_7 = arith.constant 0 : index
      %get3A_8 = arith.constant 0 : index
      %get3A_9 = vector.load %arg5[%get3A_6, %get3A_7, %get3A_8] : memref<1x768x768xbf16, #tpu.memory_space<vmem>>, vector<1x768x768xbf16>
      %get3A_10 = vector.shape_cast %get3A_9 : vector<1x768x768xbf16> to vector<768x768xbf16>
      %dot_general3A = arith.constant dense<0.000000e+00> : vector<256x768xf32>
      %dot_general3A_11 = tpu.matmul %convert_element_type3A_5, %get3A_10, %dot_general3A {dimension_numbers = #tpu.dot_dimension_numbers<[1], [1], [0], [0], [0, 0, 1, 0], [], []>, transpose_lhs_hint = false} : vector<256x768xbf16>, vector<768x768xbf16>, vector<256x768xf32> -> vector<256x768xf32>
      %get3A_12 = arith.constant 0 : index
      %get3A_13 = arith.constant 0 : index
      %get3A_14 = arith.constant 0 : index
      %get3A_15 = vector.load %arg6[%get3A_12, %get3A_13, %get3A_14] : memref<1x768x768xbf16, #tpu.memory_space<vmem>>, vector<1x768x768xbf16>
      %get3A_16 = vector.shape_cast %get3A_15 : vector<1x768x768xbf16> to vector<768x768xbf16>
      %dot_general3A_17 = arith.constant dense<0.000000e+00> : vector<256x768xf32>
      %dot_general3A_18 = tpu.matmul %convert_element_type3A_5, %get3A_16, %dot_general3A_17 {dimension_numbers = #tpu.dot_dimension_numbers<[1], [1], [0], [0], [0, 0, 1, 0], [], []>, transpose_lhs_hint = false} : vector<256x768xbf16>, vector<768x768xbf16>, vector<256x768xf32> -> vector<256x768xf32>
      %logistic3A = arith.negf %dot_general3A_11 : vector<256x768xf32>
      %logistic3A_19 = math.exp %logistic3A : vector<256x768xf32>
      %logistic3A_20 = arith.constant 1.000000e+00 : f32
      %logistic3A_21 = vector.broadcast %logistic3A_20 : f32 to vector<256x768xf32>
      %logistic3A_22 = arith.addf %logistic3A_21, %logistic3A_19 : vector<256x768xf32>
      %logistic3A_23 = arith.divf %logistic3A_21, %logistic3A_22 : vector<256x768xf32>
      %mul3A = arith.mulf %dot_general3A_11, %logistic3A_23 : vector<256x768xf32>
      %mul3A_24 = arith.mulf %mul3A, %dot_general3A_18 : vector<256x768xf32>
      %get3A_25 = arith.constant 0 : index
      %get3A_26 = arith.constant 0 : index
      %get3A_27 = vector.load %arg4[%get3A_25, %get3A_26] : memref<256x1xf32, #tpu.memory_space<vmem>>, vector<256x1xf32>
      %mul3A_28 = vector.broadcast %get3A_27 : vector<256x1xf32> to vector<256x768xf32>
      %mul3A_29 = arith.mulf %mul3A_24, %mul3A_28 : vector<256x768xf32>
      %convert_element_type3A_30 = arith.truncf %mul3A_29 : vector<256x768xf32> to vector<256x768xbf16>
      %get3A_31 = arith.constant 0 : index
      %get3A_32 = arith.constant 0 : index
      %get3A_33 = arith.constant 0 : index
      %get3A_34 = vector.load %arg7[%get3A_31, %get3A_32, %get3A_33] : memref<1x768x768xbf16, #tpu.memory_space<vmem>>, vector<1x768x768xbf16>
      %get3A_35 = vector.shape_cast %get3A_34 : vector<1x768x768xbf16> to vector<768x768xbf16>
      %dot_general3A_36 = arith.constant dense<0.000000e+00> : vector<256x768xf32>
      %dot_general3A_37 = tpu.matmul %convert_element_type3A_30, %get3A_35, %dot_general3A_36 {dimension_numbers = #tpu.dot_dimension_numbers<[1], [1], [0], [0], [0, 0, 1, 0], [], []>, transpose_lhs_hint = false} : vector<256x768xbf16>, vector<768x768xbf16>, vector<256x768xf32> -> vector<256x768xf32>
      %eq3A = arith.constant 0 : i32
      %eq3A_38 = arith.cmpi eq, %arg1, %eq3A : i32
      %convert_element_type3A_39 = arith.extui %eq3A_38 : i1 to i32
      %cond3A_40 = arith.constant 0 : i32
      %cond3A_41 = arith.cmpi ne, %convert_element_type3A_39, %cond3A_40 : i32
      scf.if %cond3A_41 {
        %swap3A = arith.constant 0 : index
        %swap3A_46 = arith.constant 0 : index
        %swap3A_47 = vector.load %arg8[%swap3A, %swap3A_46] : memref<256x768xf32, #tpu.memory_space<vmem>>, vector<256x768xf32>
        tpu.vector_store %arg8[%swap3A, %swap3A_46], %dot_general3A_37 {strides = array<i32>} : memref<256x768xf32, #tpu.memory_space<vmem>>, vector<256x768xf32>,
      } else {
      }
      %gt3A = arith.constant 0 : i32
      %gt3A_42 = arith.cmpi sgt, %arg1, %gt3A : i32
      %convert_element_type3A_43 = arith.extui %gt3A_42 : i1 to i32
      %cond3A_44 = arith.constant 0 : i32
      %cond3A_45 = arith.cmpi ne, %convert_element_type3A_43, %cond3A_44 : i32
      scf.if %cond3A_45 {
        %get3A_46 = arith.constant 0 : index
        %get3A_47 = arith.constant 0 : index
        %get3A_48 = vector.load %arg8[%get3A_46, %get3A_47] : memref<256x768xf32, #tpu.memory_space<vmem>>, vector<256x768xf32>
        %add3A = arith.addf %get3A_48, %dot_general3A_37 : vector<256x768xf32>
        %swap3A = arith.constant 0 : index
        %swap3A_49 = arith.constant 0 : index
        %swap3A_50 = vector.load %arg8[%swap3A, %swap3A_49] : memref<256x768xf32, #tpu.memory_space<vmem>>, vector<256x768xf32>
        tpu.vector_store %arg8[%swap3A, %swap3A_49], %add3A {strides = array<i32>} : memref<256x768xf32, #tpu.memory_space<vmem>>, vector<256x768xf32>,
      } else {
      }
    } else {
    }
    return
  }
  func.func @transform_0(%arg0: i32, %arg1: i32, %arg2: memref<64xi32, #tpu.memory_space<smem>>) -> (i32, i32) {
    %c0_i32 = arith.constant 0 : i32
    %c0_i32_0 = arith.constant 0 : i32
    return %arg0, %c0_i32 : i32, i32
  }
  func.func @transform_1(%arg0: i32, %arg1: i32, %arg2: memref<64xi32, #tpu.memory_space<smem>>) -> (i32, i32) {
    %c0_i32 = arith.constant 0 : i32
    %c0_i32_0 = arith.constant 0 : i32
    return %arg0, %c0_i32 : i32, i32
  }
  func.func @transform_2(%arg0: i32, %arg1: i32, %arg2: memref<64xi32, #tpu.memory_space<smem>>) -> (i32, i32, i32) {
    %get3A = arith.index_cast %arg0 : i32 to index
    %get3A_0 = memref.load %arg2[%get3A] : memref<64xi32, #tpu.memory_space<smem>>
    %c0_i32 = arith.constant 0 : i32
    %c0_i32_1 = arith.constant 0 : i32
    return %get3A_0, %arg1, %c0_i32 : i32, i32, i32
  }
  func.func @transform_3(%arg0: i32, %arg1: i32, %arg2: memref<64xi32, #tpu.memory_space<smem>>) -> (i32, i32, i32) {
    %get3A = arith.index_cast %arg0 : i32 to index
    %get3A_0 = memref.load %arg2[%get3A] : memref<64xi32, #tpu.memory_space<smem>>
    %c0_i32 = arith.constant 0 : i32
    %c0_i32_1 = arith.constant 0 : i32
    return %get3A_0, %arg1, %c0_i32 : i32, i32, i32
  }
  func.func @transform_4(%arg0: i32, %arg1: i32, %arg2: memref<64xi32, #tpu.memory_space<smem>>) -> (i32, i32, i32) {
    %get3A = arith.index_cast %arg0 : i32 to index
    %get3A_0 = memref.load %arg2[%get3A] : memref<64xi32, #tpu.memory_space<smem>>
    %c0_i32 = arith.constant 0 : i32
    %c0_i32_1 = arith.constant 0 : i32
    return %get3A_0, %c0_i32, %arg1 : i32, i32, i32
  }
  func.func @transform_5(%arg0: i32, %arg1: i32, %arg2: memref<64xi32, #tpu.memory_space<smem>>) -> (i32, i32) {
    %c0_i32 = arith.constant 0 : i32
    %c0_i32_0 = arith.constant 0 : i32
    return %arg0, %c0_i32 : i32, i32
  }
}

</mosaic_0001>

<sc_bundles>
// kernel: kernel.11.cloned.1.call-start
scs
__scs_entry_jumppad:
0x0: {  	(pc) =	sbr.rel $0x88, $3  }
0x1: {  	(tag) =	ssettag $0x0;
	lr =	simm.s32 $0x1  }
0x2: {  	[smem:$0x3F99] =	sst lr;
	_ =	strace $0xD0000000  }
0x3: {  	_ = 	snop  }
0x4: {  	_ = 	snop  }
0x5: {  	_ = 	snop  }
0x6: {  	_ = 	snop  }
0x7: {  	_ = 	snop  }
__scs_overlays_trampoline_lowered:
0x8: {  	[smem:$0x3FA8] =	sst s0  }
0x9: {  	[smem:$0x3FA9] =	sst s1  }
0xa: {  	[smem:$0x3FAA] =	sst s2  }
0xb: {  	[smem:$0x3FAB] =	sst s3  }
0xc: {  	[smem:$0x3FAC] =	sst s4  }
0xd: {  	[smem:$0x3FAD] =	sst s5  }
0xe: {  	[smem:$0x3FAE] =	sst s6  }
0xf: {  	[smem:$0x3FAF] =	sst s7  }
0x10: {  	[smem:$0x3FB0] =	sst s8  }
0x11: {  	[smem:$0x3FB1] =	sst s9;
	s0 =	simm.s32 @!p0 $0x0  }
0x12: {  	s1 =	sld [smem:$0x3F97];
	s0 =	simm.s32 @p0 $0x1  }
0x13: {  	[smem:$0x3FB2] =	sst s0;
	s0 =	simm.s32 @!p1 $0x0  }
0x14: {  	s2 =	sld [smem:$0x3F96];
	s0 =	simm.s32 @p1 $0x1  }
0x15: {  	[smem:$0x3FB3] =	sst s0;
	s0 =	simm.s32 @!p2 $0x0  }
0x16: {  	s3 =	sld [smem:$0x3FDB];
	s0 =	simm.s32 @p2 $0x1  }
0x17: {  	s4 =	simm.s32 $0x1BF5;
	[smem:$0x3FB5] =	sst s0  }
0x18: {  	s0 =	sld [smem:$0x3F98];
	_ =	swait.ge [sflag:s4], $0x0  }
0x19: {  	s7 =	sld [smem:$0x3F99]  }
0x1a: {  	s8 =	sadd.s32 $0xFFFFE003, lr  }
0x1b: {  	s9 =	sadd.s32 $0xFFFFFEF7, lr;
	s5 =	simm.s32 $0xFFFFFFFF;
	p2 =	slt.u32 s8, $0xFFFFF086  }
0x1c: {  	p1 =	slt.u32 s9, $0xF7A;
	s5 =	simm.s32 @!p2 $0x0  }
0x1d: {  	s5 =	simm.s32 @p1 $0x1;
	p0 =	seq.s32 s7, s2  }
0x1e: {  	s7 =	smul.u32 @!p0 $0xF7A, s2;
	p2 =	seq.s32 @!p0 s5, $0x0  }
0x1f: {  	s9 =	smul.u32 $0xF7A, s1;
	s8 =	simm.s32 @!p0 $0x1BF5;
	p2 =	por !p2, p0  }
0x20: {  	[sflag:s8] =	ssyncset.s32 @!p0 $0xFFFFF086;
	s6 =	sadd.s32 @!p0 s3, s7;
	s7 =	simm.s32 @!p0 $0x108  }
0x21: {  	s3 =	sadd.s32 s3, s9;
	s6 =	sadd.s32 @!p0 $0x88, s6;
	s7 =	simm.s32 @p2 $0x1082  }
0x22: {  	[simem:s7], [sflag:s8] =	dma.local @!p0 [hbm:s6], $0xF7A  }
0x23: {  	s9 =	sor.u32 $0xD0000000, s2;
	s6 =	simm.s32 $0x108;
	_ =	swait.ge @!p0 [sflag:s8], $0x0  }
0x24: {  	s3 =	sadd.s32 $0x88, s3;
	s6 =	simm.s32 @!p1 $0x1082;
	[sflag:s4] =	ssyncset.s32 $0xFFFFF086  }
0x25: {  	[simem:s6], [sflag:s4] =	dma.local [hbm:s3], $0xF7A  }
0x26: {  	[smem:$0x3F99] =	sst s1;
	(tag) =	ssettag s2;
	_ =	strace s9  }
0x27: {  	s1 =	sld [smem:$0x3FA9]  }
0x28: {  	s2 =	sld [smem:$0x3FAA]  }
0x29: {  	s4 =	sld [smem:$0x3FAC]  }
0x2a: {  	p0 =	seq.s32 s5, $0x0;
	s5 =	sld [smem:$0x3FAD]  }
0x2b: {  	s6 =	sld [smem:$0x3FAE]  }
0x2c: {  	s7 =	sld [smem:$0x3FAF]  }
0x2d: {  	s3 =	simm.s32 $0x108;
	s8 =	sld [smem:$0x3FB0]  }
0x2e: {  	s3 =	simm.s32 @!p0 $0x1082;
	s9 =	sld [smem:$0x3FB1]  }
0x2f: {  	lr =	sadd.s32 s0, s3;
	s0 =	sld [smem:$0x3FA8]  }
0x30: {  	s3 =	sld [smem:$0x3FAB]  }
0x31: {  	[smem:$0x3FB4] =	sst s10  }
0x32: {  	s10 =	sld [smem:$0x3FB2];
	_ =	sdelay $0x3  }
0x33: {  	p0 =	seq.s32 s10, $0x1;
	s10 =	sld [smem:$0x3FB4];
	_ =	sdelay $0x3  }
0x34: {  	[smem:$0x3FB4] =	sst s10  }
0x35: {  	s10 =	sld [smem:$0x3FB3];
	_ =	sdelay $0x3  }
0x36: {  	p1 =	seq.s32 s10, $0x1;
	s10 =	sld [smem:$0x3FB4];
	_ =	sdelay $0x3  }
0x37: {  	[smem:$0x3FB4] =	sst s10  }
0x38: {  	s10 =	sld [smem:$0x3FB5]  }
0x39: {  	_ = 	snop;
	(pc) =	sbr.ind lr, $3  }
0x3a: {  	_ = 	snop  }
0x3b: {  	_ = 	snop  }
0x3c: {  	p2 =	seq.s32 s10, $0x1;
	s10 =	sld [smem:$0x3FB4]  }
0x3d: {  	_ =	shalt  }
0x3e: {  	_ =	shalt  }
0x3f: {  	_ =	shalt  }
0x40: {  	_ =	shalt  }
0x41: {  	_ =	shalt  }
0x42: {  	_ =	shalt  }
0x43: {  	_ =	shalt  }
0x44: {  	_ =	shalt  }
0x45: {  	_ =	shalt  }
0x46: {  	_ =	shalt  }
0x47: {  	_ =	shalt  }
0x48: {  	_ =	shalt  }
0x49: {  	_ =	shalt  }
0x4a: {  	_ =	shalt  }
0x4b: {  	_ =	shalt  }
0x4c: {  	_ =	shalt  }
0x4d: {  	_ =	shalt  }
0x4e: {  	_ =	shalt  }
0x4f: {  	_ =	shalt  }
0x50: {  	_ =	shalt  }
0x51: {  	_ =	shalt  }
0x52: {  	_ =	shalt  }
0x53: {  	_ =	shalt  }
0x54: {  	_ =	shalt  }
0x55: {  	_ =	shalt  }
0x56: {  	_ =	shalt  }
0x57: {  	_ =	shalt  }
0x58: {  	_ =	shalt  }
0x59: {  	_ =	shalt  }
0x5a: {  	_ =	shalt  }
0x5b: {  	_ =	shalt  }
0x5c: {  	_ =	shalt  }
0x5d: {  	_ =	shalt  }
0x5e: {  	_ =	shalt  }
0x5f: {  	_ =	shalt  }
0x60: {  	_ =	shalt  }
0x61: {  	_ =	shalt  }
0x62: {  	_ =	shalt  }
0x63: {  	_ =	shalt  }
0x64: {  	_ =	shalt  }
0x65: {  	_ =	shalt  }
0x66: {  	_ =	shalt  }
0x67: {  	_ =	shalt  }
0x68: {  	_ =	shalt  }
0x69: {  	_ =	shalt  }
0x6a: {  	_ =	shalt  }
0x6b: {  	_ =	shalt  }
0x6c: {  	_ =	shalt  }
0x6d: {  	_ =	shalt  }
0x6e: {  	_ =	shalt  }
0x6f: {  	_ =	shalt  }
0x70: {  	_ =	shalt  }
0x71: {  	_ =	shalt  }
0x72: {  	_ =	shalt  }
0x73: {  	_ =	shalt  }
0x74: {  	_ =	shalt  }
0x75: {  	_ =	shalt  }
0x76: {  	_ =	shalt  }
0x77: {  	_ =	shalt  }
0x78: {  	_ =	shalt  }
0x79: {  	_ =	shalt  }
0x7a: {  	_ =	shalt  }
0x7b: {  	_ =	shalt  }
0x7c: {  	_ =	shalt  }
0x7d: {  	_ =	shalt  }
0x7e: {  	_ =	shalt  }
0x7f: {  	_ =	shalt  }
0x80: {  	_ =	shalt  }
0x81: {  	_ =	shalt  }
0x82: {  	_ =	shalt  }
0x83: {  	_ =	shalt  }
0x84: {  	_ =	shalt  }
0x85: {  	_ =	shalt  }
0x86: {  	_ =	shalt  }
0x87: {  	_ =	shalt  }
.Lfunc_end0:
.L_simem_size_0:
called_computation.1_lowered:
.L_overlay_start_0:
0x88: {  	s2 =	sld [smem:$0x3FD9]  }
0x89: {  	s3 =	sld [smem:$0x3FFE];
	_ =	sdelay $0x1  }
0x8a: {  	s1 =	srdreg.scid  }
0x8b: {  	s0 =	sand.u32 $0x1, s1  }
0x8c: {  	s17 =	sshll.u32 s0, $0xA;
	s2 =	sadd.s32 s3, s2  }
0x8d: {  	s2 =	sadd.s32 s2, s17  }
0x8e: {  	[smem:$0x3FC0] =	sst s2  }
0x8f: {  	_ = 	snop  }
0x90: {  	s2 =	sld [smem:$0x3FD0];
	(tm) =	ssettm $0x1  }
0x91: {  	s18 =	sld [smem:$0x3FFB];
	_ =	sdelay $0x3  }
0x92: {  	_ =	strace s18  }
0x93: {  	s3 =	sld [smem:$0x3FFC];
	_ =	sdelay $0x3  }
0x94: {  	_ =	strace s3  }
0x95: {  	s3 =	sld [smem:$0x3FFD];
	_ =	sdelay $0x3  }
0x96: {  	_ =	strace s3  }
0x97: {  	_ =	strace $0x8FFFFFFF  }
0x98: {  	s19 =	sld [smem:$0x3FDB];
	_ =	sdelay $0x1  }
0x99: {  	s4 =	simm.s32 $_scs_section_size  }
0x9a: {  	s5 =	simm.s32 $_size__tile_overlayer_lowered;
	s6 =	simm.s32 $_tile_overlayer_lowered  }
0x9b: {  	s22 =	simm.s32 $0x1BFF;
	s21 =	sshll.u32 s6, $0x1;
	s3 =	sadd.s32 s4, s19  }
0x9c: {  	s7 =	simm.s32 $0x0;
	s20 =	sshll.u32 s5, $0x1;
	s5 =	sadd.s32 s21, s3  }
0x9d: {  	[timem:s7], [sflag:s22] =	dma.local [hbm:s5], s20  }
0x9e: {  	_ =	swait.ge [sflag:s22], s20  }
0x9f: {  	s4 =	ssub.s32 $0x0, s20;
	[sflag:s22] =	ssyncset.done $0x0  }
0xa0: {  	[sflag:s22] =	ssyncadd.s32 s4;
	_ =	sdelay $0x1  }
0xa1: {  	s23 =	simm.s32 $0x1B8B  }
0xa2: {  	_ =	swait.ge [sflag:s23], $0x1  }
0xa3: {  	[sflag:s23] =	ssyncset.done $0x0  }
0xa4: {  	s25 =	simm.s32 $0x1B8E;
	s24 =	sld [smem:$0x3FFE];
	[sflag:s23] =	ssyncadd.s32 $0xFFFFFFFF  }
0xa5: {  	s26 =	simm.s32 $execute0_lowered;
	[smem:$0x3FD2] =	sst s25  }
0xa6: {  	s5 =	sshll.u32 s26, $0x1;
	_ =	strace $0x80000049;
	[dreg:$0x1] =	wrdreg $0xFFFFFFFF  }
0xa7: {  	s28 =	simm.s32 $_size_execute0_lowered;
	s3 =	sadd.s32 s3, s5;
	[dreg:$0x0] =	wrdreg $0x0  }
0xa8: {  	s5 =	sshll.u32 s28, $0x1;
	[dreg:$0x2] =	wrdreg s3  }
0xa9: {  	[dreg:$0x3] =	wrdreg s5  }
0xaa: {  	[dreg:$0x4] =	wrdreg $0xC0  }
0xab: {  	_ =	task [dreg:s7], $0x5FFFF  }
0xac: {  	[dreg:$0x1] =	wrdreg $0xFFFFFFFF  }
0xad: {  	[dreg:$0x0] =	wrdreg $0x60  }
0xae: {  	[dreg:$0x2] =	wrdreg s2  }
0xaf: {  	[dreg:$0x3] =	wrdreg s24  }
0xb0: {  	[dreg:$0x4] =	wrdreg $0x9  }
0xb1: {  	_ =	task.clear_ibuf [dreg:s7], $0x5FFFF;
	_ =	strace $0x90000049  }
0xb2: {  	s29 =	simm.s32 $0x9;
	_ =	strace $0x8000004B  }
0xb3: {  	_ =	swait.ge [sflag:s29], $0x1  }
0xb4: {  	[sflag:s29] =	ssyncadd.s32 $0xFFFFFFFF  }
0xb5: {  	_ =	strace $0x9000004B  }
0xb6: {  	_ =	sfence  }
0xb7: {  	s30 =	sld [smem:$0x0];
	_ =	sdelay $0x2  }
0xb8: {  	s31 =	sshll.u32 s1, $0xD;
	s1 =	sshrl.u32 s1, $0x2  }
0xb9: {  	s3 =	sand.u32 $0x4000, s31;
	s1 =	sadd.s32 s1, s30  }
0xba: {  	s0 =	sor.u32 s3, s0;
	s1 =	sshll.u32 s1, $0x11  }
0xbb: {  	s0 =	sor.u32 s1, s0  }
0xbc: {  	s0 =	sadd.s32 $0x8F2B, s0  }
0xbd: {  	[sflag:s0] =	ssyncadd.remote.s32 $0x1  }
0xbe: {  	_ =	sfence.sel $0xFFFF  }
0xbf: {  	[dreg:$0x0] =	wrdreg $0xFFFFFFFF;
	(pc) =	sbr.abs _section_cstart, $3  }
0xc0: {  	[dreg:$0x1] =	wrdreg $0xFFFFFFFF  }
0xc1: {  	_ =	task.clear_ibuf [dreg:s7], $0x2FFFF;
	_ =	strace $0x9FFFFFFF  }
0xc2: {  	(tm) =	ssettm $0x7FFFFFFF  }
0xc3: {  	_ =	shalt  }
tec
execute0_lowered:
.L_overlay_start_1:
0x0: {  	(tag) =	ssettag $0x1  }
0x1: {  	s1 =	srdreg.scid;
	s0 =	stileid.u32  }
0x2: {  	s28 =	sand.u32 $0x1, s1;
	s31 =	sshll.u32 s0, $0x1  }
0x3: {  	s19 =	sor.u32 s28, s31  }
0x4: {  	s2 =	rddreg [dreg:$0x0];
	s8 =	smul.u32 $0xC0, s19  }
0x5: {  	s20 =	rddreg [dreg:$0x1];
	s3 =	simm.s32 $0x0;
	s5 =	simm.s32 $0x5  }
0x6: {  	[smem:$0x7FF] =	sst s3;
	s9 =	sadd.s32 $0x4000, s20;
	s4 =	sshrl.u32 s8, $0x3  }
0x7: {  	s1 =	rddreg [dreg:$0x2];
	_ =	strace $0x8000004A;
	s4 =	sadd.s32 s9, s4  }
0x8: {  	[tilespmem:s3], [sflag:$0x5] =	stream.linear.gather [hbm4b:s4+s3], $0x20, $0x38;
	[tilespmem:$0xC0C0] =	vst v63  }
0x9: {  	s22 =	sor.u32 $0x20, s8;
	_ =	swait.ge [sflag:s5], $0x20  }
0xa: {  	s6 =	sshrl.u32 s22, $0x3;
	[sflag:s5] =	ssyncset.done $0x0  }
0xb: {  	s7 =	simm.s32 $0x20;
	s6 =	sadd.s32 s9, s6;
	[sflag:s5] =	ssyncadd.s32 $0xFFFFFFE0  }
0xc: {  	[tilespmem:s7], [sflag:$0x5] =	stream.linear.gather [hbm4b:s6+s3], $0x20, $0x38;
	[tilespmem:$0xC0C0] =	vst v63  }
0xd: {  	s24 =	sadd.s32 $0x40, s8;
	_ =	swait.ge [sflag:s5], $0x20  }
0xe: {  	s8 =	sshrl.u32 s24, $0x3;
	[sflag:s5] =	ssyncset.done $0x0  }
0xf: {  	s8 =	sadd.s32 s9, s8;
	s9 =	simm.s32 $0x40;
	[sflag:s5] =	ssyncadd.s32 $0xFFFFFFE0  }
0x10: {  	[tilespmem:s9], [sflag:$0x5] =	stream.linear.gather [hbm4b:s8+s3], $0x20, $0x38;
	[tilespmem:$0xC0C0] =	vst v63  }
0x11: {  	_ =	swait.ge [sflag:s5], $0x20  }
0x12: {  	[sflag:s5] =	ssyncset.done $0x0  }
0x13: {  	s11 =	simm.s32 $0x60;
	s10 =	sadd.s32 $0xC, s4;
	[sflag:s5] =	ssyncadd.s32 $0xFFFFFFE0  }
0x14: {  	[tilespmem:s11], [sflag:$0x5] =	stream.linear.gather [hbm4b:s10+s3], $0x20, $0x38;
	[tilespmem:$0xC0C0] =	vst v63  }
0x15: {  	_ =	swait.ge [sflag:s5], $0x20  }
0x16: {  	[sflag:s5] =	ssyncset.done $0x0  }
0x17: {  	s13 =	simm.s32 $0x80;
	s12 =	sadd.s32 $0x10, s4;
	[sflag:s5] =	ssyncadd.s32 $0xFFFFFFE0  }
0x18: {  	[tilespmem:s13], [sflag:$0x5] =	stream.linear.gather [hbm4b:s12+s3], $0x20, $0x38;
	[tilespmem:$0xC0C0] =	vst v63  }
0x19: {  	_ =	swait.ge [sflag:s5], $0x20  }
0x1a: {  	[sflag:s5] =	ssyncset.done $0x0  }
0x1b: {  	s15 =	simm.s32 $0xA0;
	s14 =	sadd.s32 $0x14, s4;
	[sflag:s5] =	ssyncadd.s32 $0xFFFFFFE0  }
0x1c: {  	[tilespmem:s15], [sflag:$0x5] =	stream.linear.gather [hbm4b:s14+s3], $0x20, $0x38;
	[tilespmem:$0xC0C0] =	vst v63  }
0x1d: {  	_ =	swait.ge [sflag:s5], $0x20  }
0x1e: {  	[sflag:s5] =	ssyncset.done $0x0  }
0x1f: {  	s16 =	simm.s32 $0xC0;
	[sflag:s5] =	ssyncadd.s32 $0xFFFFFFE0  }
0x20: {  	[tilespmem:s16], [sflag:$0x1] =	stream.indirect.gather [hbm4b:s2+s7], $0x300, s3, s7, $0xb8;
	[tilespmem:$0xC0C0] =	vst v63  }
0x21: {  	s17 =	simm.s32 $0x60C0;
	s18 =	simm.s32 $0x1  }
0x22: {  	[tilespmem:s17], [sflag:$0x2] =	stream.indirect.gather [hbm4b:s2+s7], $0x300, s7, s7, $0xb8;
	[tilespmem:$0xC0C0] =	vst v63  }
0x23: {  	s19 =	smul.u32 $0x4800, s19;
	_ =	swait.ge [sflag:s18], $0x6000  }
0x24: {  	s25 =	sadd.s32 $0x4400, s20;
	[sflag:s18] =	ssyncset.done $0x0  }
0x25: {  	s20 =	simm.s32 $0x3;
	s19 =	sadd.s32 s25, s19;
	[sflag:s18] =	ssyncadd.s32 $0xFFFFA000  }
0x26: {  	[hbm4b:s19+s3] =	stream.linear.scatter [tilespmem:s16], [sflag:$0x3], $0x6000, $0x38;
	[tilespmem:$0xC0C0] =	vst v63  }
0x27: {  	_ =	swait.ge [sflag:s20], $0x6000  }
0x28: {  	[sflag:s20] =	ssyncset.done $0x0  }
0x29: {  	s21 =	simm.s32 $0x2;
	[sflag:s20] =	ssyncadd.s32 $0xFFFFA000  }
0x2a: {  	[tilespmem:s16], [sflag:$0x1] =	stream.indirect.gather [hbm4b:s2+s7], $0x300, s9, s7, $0xb8;
	[tilespmem:$0xC0C0] =	vst v63  }
0x2b: {  	s22 =	smul.u32 $0x60, s22;
	_ =	swait.ge [sflag:s21], $0x6000  }
0x2c: {  	[sflag:s21] =	ssyncset.done $0x0  }
0x2d: {  	s23 =	simm.s32 $0x4;
	s22 =	sadd.s32 s25, s22;
	[sflag:s21] =	ssyncadd.s32 $0xFFFFA000  }
0x2e: {  	[hbm4b:s22+s3] =	stream.linear.scatter [tilespmem:s17], [sflag:$0x4], $0x6000, $0x38;
	[tilespmem:$0xC0C0] =	vst v63  }
0x2f: {  	_ =	swait.ge [sflag:s23], $0x6000  }
0x30: {  	[sflag:s23] =	ssyncset.done $0x0  }
0x31: {  	[sflag:s23] =	ssyncadd.s32 $0xFFFFA000  }
0x32: {  	[tilespmem:s17], [sflag:$0x2] =	stream.indirect.gather [hbm4b:s2+s7], $0x300, s11, s7, $0xb8;
	[tilespmem:$0xC0C0] =	vst v63  }
0x33: {  	s24 =	smul.u32 $0x60, s24;
	_ =	swait.ge [sflag:s18], $0x6000  }
0x34: {  	[sflag:s18] =	ssyncset.done $0x0  }
0x35: {  	s24 =	sadd.s32 s25, s24;
	[sflag:s18] =	ssyncadd.s32 $0xFFFFA000  }
0x36: {  	[hbm4b:s24+s3] =	stream.linear.scatter [tilespmem:s16], [sflag:$0x3], $0x6000, $0x38;
	[tilespmem:$0xC0C0] =	vst v63  }
0x37: {  	_ =	swait.ge [sflag:s20], $0x6000  }
0x38: {  	[sflag:s20] =	ssyncset.done $0x0  }
0x39: {  	[sflag:s20] =	ssyncadd.s32 $0xFFFFA000  }
0x3a: {  	[tilespmem:s16], [sflag:$0x1] =	stream.indirect.gather [hbm4b:s2+s7], $0x300, s13, s7, $0xb8;
	[tilespmem:$0xC0C0] =	vst v63  }
0x3b: {  	_ =	swait.ge [sflag:s21], $0x6000  }
0x3c: {  	[sflag:s21] =	ssyncset.done $0x0  }
0x3d: {  	s25 =	sadd.s32 $0x2400, s19;
	[sflag:s21] =	ssyncadd.s32 $0xFFFFA000  }
0x3e: {  	[hbm4b:s25+s3] =	stream.linear.scatter [tilespmem:s17], [sflag:$0x4], $0x6000, $0x38;
	[tilespmem:$0xC0C0] =	vst v63  }
0x3f: {  	_ =	swait.ge [sflag:s23], $0x6000  }
0x40: {  	[sflag:s23] =	ssyncset.done $0x0  }
0x41: {  	[sflag:s23] =	ssyncadd.s32 $0xFFFFA000  }
0x42: {  	[tilespmem:s17], [sflag:$0x2] =	stream.indirect.gather [hbm4b:s2+s7], $0x300, s15, s7, $0xb8;
	[tilespmem:$0xC0C0] =	vst v63  }
0x43: {  	_ =	swait.ge [sflag:s18], $0x6000  }
0x44: {  	s29 =	ssub.s32 $0x2, s28;
	[sflag:s18] =	ssyncset.done $0x0  }
0x45: {  	s30 =	sshrl.u32 s29, $0x1;
	s26 =	sadd.s32 $0x3000, s19;
	[sflag:s18] =	ssyncadd.s32 $0xFFFFA000  }
0x46: {  	[hbm4b:s26+s3] =	stream.linear.scatter [tilespmem:s16], [sflag:$0x3], $0x6000, $0x38;
	[tilespmem:$0xC0C0] =	vst v63  }
0x47: {  	s29 =	ssub.s32 s29, s30;
	_ =	swait.ge [sflag:s21], $0x6000  }
0x48: {  	s29 =	smax.u32 s29, $0x1;
	[sflag:s21] =	ssyncset.done $0x0  }
0x49: {  	s28 =	sadd.s32 $0x3C00, s19;
	p0 =	sne.s32 s29, $0x1;
	[sflag:s21] =	ssyncadd.s32 $0xFFFFA000  }
0x4a: {  	[hbm4b:s28+s3] =	stream.linear.scatter [tilespmem:s17], [sflag:$0x4], $0x6000, $0x38;
	[tilespmem:$0xC0C0] =	vst v63  }
.Ltmp0:
0x4b: {  	_ =	swait.ge [sflag:s20], $0x6000;
	(pc) =	sbr.rel @!p0 .LBB2_2-.Ltmp0, $4  }
0x4c: {  	[sflag:s20] =	ssyncset.done $0x0  }
0x4d: {  	[sflag:s20] =	ssyncadd.s32 $0xFFFFA000  }
0x4e: {  	_ =	swait.ge [sflag:s23], $0x6000  }
0x4f: {  	s29 =	sadd.s32 $0xFFFFFFFF, s29;
	[sflag:s23] =	ssyncset.done $0x0  }
.LBB2_1:
0x50: {  	p0 =	sne.s32 s29, $0x1;
	s29 =	sadd.s32 $0xFFFFFFFF, s29;
	[sflag:s23] =	ssyncadd.s32 $0xFFFFA000  }
0x51: {  	[tilespmem:s3], [sflag:$0x5] =	stream.linear.gather [hbm4b:s4+s3], $0x20, $0x38;
	[tilespmem:$0xC0C0] =	vst v63  }
0x52: {  	_ =	swait.ge [sflag:s5], $0x20  }
0x53: {  	[sflag:s5] =	ssyncset.done $0x0  }
0x54: {  	[sflag:s5] =	ssyncadd.s32 $0xFFFFFFE0  }
0x55: {  	[tilespmem:s7], [sflag:$0x5] =	stream.linear.gather [hbm4b:s6+s3], $0x20, $0x38;
	[tilespmem:$0xC0C0] =	vst v63  }
0x56: {  	_ =	swait.ge [sflag:s5], $0x20  }
0x57: {  	[sflag:s5] =	ssyncset.done $0x0  }
0x58: {  	[sflag:s5] =	ssyncadd.s32 $0xFFFFFFE0  }
0x59: {  	[tilespmem:s9], [sflag:$0x5] =	stream.linear.gather [hbm4b:s8+s3], $0x20, $0x38;
	[tilespmem:$0xC0C0] =	vst v63  }
0x5a: {  	_ =	swait.ge [sflag:s5], $0x20  }
0x5b: {  	[sflag:s5] =	ssyncset.done $0x0  }
0x5c: {  	[sflag:s5] =	ssyncadd.s32 $0xFFFFFFE0  }
0x5d: {  	[tilespmem:s11], [sflag:$0x5] =	stream.linear.gather [hbm4b:s10+s3], $0x20, $0x38;
	[tilespmem:$0xC0C0] =	vst v63  }
0x5e: {  	_ =	swait.ge [sflag:s5], $0x20  }
0x5f: {  	[sflag:s5] =	ssyncset.done $0x0  }
0x60: {  	[sflag:s5] =	ssyncadd.s32 $0xFFFFFFE0  }
0x61: {  	[tilespmem:s13], [sflag:$0x5] =	stream.linear.gather [hbm4b:s12+s3], $0x20, $0x38;
	[tilespmem:$0xC0C0] =	vst v63  }
0x62: {  	_ =	swait.ge [sflag:s5], $0x20  }
0x63: {  	[sflag:s5] =	ssyncset.done $0x0  }
0x64: {  	[sflag:s5] =	ssyncadd.s32 $0xFFFFFFE0  }
0x65: {  	[tilespmem:s15], [sflag:$0x5] =	stream.linear.gather [hbm4b:s14+s3], $0x20, $0x38;
	[tilespmem:$0xC0C0] =	vst v63  }
0x66: {  	_ =	swait.ge [sflag:s5], $0x20  }
0x67: {  	[sflag:s5] =	ssyncset.done $0x0  }
0x68: {  	[sflag:s5] =	ssyncadd.s32 $0xFFFFFFE0  }
0x69: {  	[tilespmem:s16], [sflag:$0x1] =	stream.indirect.gather [hbm4b:s2+s7], $0x300, s3, s7, $0xb8;
	[tilespmem:$0xC0C0] =	vst v63  }
0x6a: {  	_ = 	snop  }
0x6b: {  	[tilespmem:s17], [sflag:$0x2] =	stream.indirect.gather [hbm4b:s2+s7], $0x300, s7, s7, $0xb8;
	[tilespmem:$0xC0C0] =	vst v63  }
0x6c: {  	_ =	swait.ge [sflag:s18], $0x6000  }
0x6d: {  	[sflag:s18] =	ssyncset.done $0x0  }
0x6e: {  	[sflag:s18] =	ssyncadd.s32 $0xFFFFA000  }
0x6f: {  	[hbm4b:s19+s3] =	stream.linear.scatter [tilespmem:s16], [sflag:$0x3], $0x6000, $0x38;
	[tilespmem:$0xC0C0] =	vst v63  }
0x70: {  	_ =	swait.ge [sflag:s20], $0x6000  }
0x71: {  	[sflag:s20] =	ssyncset.done $0x0  }
0x72: {  	[sflag:s20] =	ssyncadd.s32 $0xFFFFA000  }
0x73: {  	[tilespmem:s16], [sflag:$0x1] =	stream.indirect.gather [hbm4b:s2+s7], $0x300, s9, s7, $0xb8;
	[tilespmem:$0xC0C0] =	vst v63  }
0x74: {  	_ =	swait.ge [sflag:s21], $0x6000  }
0x75: {  	[sflag:s21] =	ssyncset.done $0x0  }
0x76: {  	[sflag:s21] =	ssyncadd.s32 $0xFFFFA000  }
0x77: {  	[hbm4b:s22+s3] =	stream.linear.scatter [tilespmem:s17], [sflag:$0x4], $0x6000, $0x38;
	[tilespmem:$0xC0C0] =	vst v63  }
0x78: {  	_ =	swait.ge [sflag:s23], $0x6000  }
0x79: {  	[sflag:s23] =	ssyncset.done $0x0  }
0x7a: {  	[sflag:s23] =	ssyncadd.s32 $0xFFFFA000  }
0x7b: {  	[tilespmem:s17], [sflag:$0x2] =	stream.indirect.gather [hbm4b:s2+s7], $0x300, s11, s7, $0xb8;
	[tilespmem:$0xC0C0] =	vst v63  }
0x7c: {  	_ =	swait.ge [sflag:s18], $0x6000  }
0x7d: {  	[sflag:s18] =	ssyncset.done $0x0  }
0x7e: {  	[sflag:s18] =	ssyncadd.s32 $0xFFFFA000  }
0x7f: {  	[hbm4b:s24+s3] =	stream.linear.scatter [tilespmem:s16], [sflag:$0x3], $0x6000, $0x38;
	[tilespmem:$0xC0C0] =	vst v63  }
0x80: {  	_ =	swait.ge [sflag:s20], $0x6000  }
0x81: {  	[sflag:s20] =	ssyncset.done $0x0  }
0x82: {  	[sflag:s20] =	ssyncadd.s32 $0xFFFFA000  }
0x83: {  	[tilespmem:s16], [sflag:$0x1] =	stream.indirect.gather [hbm4b:s2+s7], $0x300, s13, s7, $0xb8;
	[tilespmem:$0xC0C0] =	vst v63  }
0x84: {  	_ =	swait.ge [sflag:s21], $0x6000  }
0x85: {  	[sflag:s21] =	ssyncset.done $0x0  }
0x86: {  	[sflag:s21] =	ssyncadd.s32 $0xFFFFA000  }
0x87: {  	[hbm4b:s25+s3] =	stream.linear.scatter [tilespmem:s17], [sflag:$0x4], $0x6000, $0x38;
	[tilespmem:$0xC0C0] =	vst v63  }
0x88: {  	_ =	swait.ge [sflag:s23], $0x6000  }
0x89: {  	[sflag:s23] =	ssyncset.done $0x0  }
0x8a: {  	[sflag:s23] =	ssyncadd.s32 $0xFFFFA000  }
0x8b: {  	[tilespmem:s17], [sflag:$0x2] =	stream.indirect.gather [hbm4b:s2+s7], $0x300, s15, s7, $0xb8;
	[tilespmem:$0xC0C0] =	vst v63  }
0x8c: {  	_ =	swait.ge [sflag:s18], $0x6000  }
0x8d: {  	[sflag:s18] =	ssyncset.done $0x0  }
0x8e: {  	[sflag:s18] =	ssyncadd.s32 $0xFFFFA000  }
0x8f: {  	[hbm4b:s26+s3] =	stream.linear.scatter [tilespmem:s16], [sflag:$0x3], $0x6000, $0x38;
	[tilespmem:$0xC0C0] =	vst v63  }
0x90: {  	_ =	swait.ge [sflag:s21], $0x6000  }
0x91: {  	[sflag:s21] =	ssyncset.done $0x0  }
0x92: {  	[sflag:s21] =	ssyncadd.s32 $0xFFFFA000  }
0x93: {  	[hbm4b:s28+s3] =	stream.linear.scatter [tilespmem:s17], [sflag:$0x4], $0x6000, $0x38;
	[tilespmem:$0xC0C0] =	vst v63  }
.Ltmp1:
0x94: {  	_ =	swait.ge [sflag:s20], $0x6000;
	(pc) =	sbr.rel @p0 .LBB2_1-.Ltmp1, $4  }
0x95: {  	[sflag:s20] =	ssyncset.done $0x0  }
0x96: {  	[sflag:s20] =	ssyncadd.s32 $0xFFFFA000  }
0x97: {  	_ =	swait.ge [sflag:s23], $0x6000  }
0x98: {  	[sflag:s23] =	ssyncset.done $0x0  }
.LBB2_2:
0x99: {  	[sflag:s23] =	ssyncadd.s32 $0xFFFFA000  }
0x9a: {  	_ =	sfence.sel $0x180000  }
0x9b: {  	[bflag:$0x0] =	sbarrier.arrive $0xFFFF  }
0x9c: {  	p0 =	sne.s32 s0, $0x0;
	_ =	strace $0x9000004A  }
0x9d: {  	s0 =	sadd.s32 @!p0 $0x100000, s1;
	[bflag:$0x2] =	sbarrier.arrive $0xFFFF  }
0x9e: {  	[sflag:s0] =	ssyncadd.tile.s32 @!p0 $0x1;
	_ =	shalt  }
.Lfunc_end2:
_tile_overlayer_lowered:
.L_overlay_start_2:
0x9f: {  	(tag) =	ssettag $0x2  }
0xa0: {  	s0 =	rddreg [dreg:$0x0];
	s2 =	stileid.u32  }
0xa1: {  	s1 =	rddreg [dreg:$0x1];
	p0 =	sne.s32 s2, $0x0  }
0xa2: {  	s3 =	rddreg [dreg:$0x2];
	[bflag:$0x3] =	sbarrier.arrive $0xFFFF;
	s2 =	simm.s32 @!p0 $0x1C05  }
0xa3: {  	[timem:s3], [sflag:s2] =	dma.local @!p0 [hbm:s0], s1  }
0xa4: {  	s0 =	simm.s32 @!p0 $0x5  }
0xa5: {  	_ =	swait.ge @!p0 [sflag:s0], s1  }
0xa6: {  	s1 =	ssub.s32 @!p0 $0x0, s1;
	[sflag:s0] =	ssyncset.done @!p0 $0x0  }
0xa7: {  	[sflag:s0] =	ssyncadd.s32 @!p0 s1  }
0xa8: {  	[bflag:$0x3] =	sbarrier.arrive $0xFFFF  }
0xa9: {  	_ =	shalt  }

// kernel: kernel.14.cloned.1.call-start
scs
__scs_entry_jumppad:
0x0: {  	(pc) =	sbr.rel $0x88, $3  }
0x1: {  	(tag) =	ssettag $0x0;
	lr =	simm.s32 $0x1  }
0x2: {  	[smem:$0x3F99] =	sst lr;
	_ =	strace $0xD0000000  }
0x3: {  	_ = 	snop  }
0x4: {  	_ = 	snop  }
0x5: {  	_ = 	snop  }
0x6: {  	_ = 	snop  }
0x7: {  	_ = 	snop  }
__scs_overlays_trampoline_lowered:
0x8: {  	[smem:$0x3FA8] =	sst s0  }
0x9: {  	[smem:$0x3FA9] =	sst s1  }
0xa: {  	[smem:$0x3FAA] =	sst s2  }
0xb: {  	[smem:$0x3FAB] =	sst s3  }
0xc: {  	[smem:$0x3FAC] =	sst s4  }
0xd: {  	[smem:$0x3FAD] =	sst s5  }
0xe: {  	[smem:$0x3FAE] =	sst s6  }
0xf: {  	[smem:$0x3FAF] =	sst s7  }
0x10: {  	[smem:$0x3FB0] =	sst s8  }
0x11: {  	[smem:$0x3FB1] =	sst s9;
	s0 =	simm.s32 @!p0 $0x0  }
0x12: {  	s1 =	sld [smem:$0x3F97];
	s0 =	simm.s32 @p0 $0x1  }
0x13: {  	[smem:$0x3FB2] =	sst s0;
	s0 =	simm.s32 @!p1 $0x0  }
0x14: {  	s2 =	sld [smem:$0x3F96];
	s0 =	simm.s32 @p1 $0x1  }
0x15: {  	[smem:$0x3FB3] =	sst s0;
	s0 =	simm.s32 @!p2 $0x0  }
0x16: {  	s3 =	sld [smem:$0x3FDB];
	s0 =	simm.s32 @p2 $0x1  }
0x17: {  	s4 =	simm.s32 $0x1BF5;
	[smem:$0x3FB5] =	sst s0  }
0x18: {  	s0 =	sld [smem:$0x3F98];
	_ =	swait.ge [sflag:s4], $0x0  }
0x19: {  	s7 =	sld [smem:$0x3F99]  }
0x1a: {  	s8 =	sadd.s32 $0xFFFFE003, lr  }
0x1b: {  	s9 =	sadd.s32 $0xFFFFFEF7, lr;
	s5 =	simm.s32 $0xFFFFFFFF;
	p2 =	slt.u32 s8, $0xFFFFF086  }
0x1c: {  	p1 =	slt.u32 s9, $0xF7A;
	s5 =	simm.s32 @!p2 $0x0  }
0x1d: {  	s5 =	simm.s32 @p1 $0x1;
	p0 =	seq.s32 s7, s2  }
0x1e: {  	s7 =	smul.u32 @!p0 $0xF7A, s2;
	p2 =	seq.s32 @!p0 s5, $0x0  }
0x1f: {  	s9 =	smul.u32 $0xF7A, s1;
	s8 =	simm.s32 @!p0 $0x1BF5;
	p2 =	por !p2, p0  }
0x20: {  	[sflag:s8] =	ssyncset.s32 @!p0 $0xFFFFF086;
	s6 =	sadd.s32 @!p0 s3, s7;
	s7 =	simm.s32 @!p0 $0x108  }
0x21: {  	s3 =	sadd.s32 s3, s9;
	s6 =	sadd.s32 @!p0 $0x88, s6;
	s7 =	simm.s32 @p2 $0x1082  }
0x22: {  	[simem:s7], [sflag:s8] =	dma.local @!p0 [hbm:s6], $0xF7A  }
0x23: {  	s9 =	sor.u32 $0xD0000000, s2;
	s6 =	simm.s32 $0x108;
	_ =	swait.ge @!p0 [sflag:s8], $0x0  }
0x24: {  	s3 =	sadd.s32 $0x88, s3;
	s6 =	simm.s32 @!p1 $0x1082;
	[sflag:s4] =	ssyncset.s32 $0xFFFFF086  }
0x25: {  	[simem:s6], [sflag:s4] =	dma.local [hbm:s3], $0xF7A  }
0x26: {  	[smem:$0x3F99] =	sst s1;
	(tag) =	ssettag s2;
	_ =	strace s9  }
0x27: {  	s1 =	sld [smem:$0x3FA9]  }
0x28: {  	s2 =	sld [smem:$0x3FAA]  }
0x29: {  	s4 =	sld [smem:$0x3FAC]  }
0x2a: {  	p0 =	seq.s32 s5, $0x0;
	s5 =	sld [smem:$0x3FAD]  }
0x2b: {  	s6 =	sld [smem:$0x3FAE]  }
0x2c: {  	s7 =	sld [smem:$0x3FAF]  }
0x2d: {  	s3 =	simm.s32 $0x108;
	s8 =	sld [smem:$0x3FB0]  }
0x2e: {  	s3 =	simm.s32 @!p0 $0x1082;
	s9 =	sld [smem:$0x3FB1]  }
0x2f: {  	lr =	sadd.s32 s0, s3;
	s0 =	sld [smem:$0x3FA8]  }
0x30: {  	s3 =	sld [smem:$0x3FAB]  }
0x31: {  	[smem:$0x3FB4] =	sst s10  }
0x32: {  	s10 =	sld [smem:$0x3FB2];
	_ =	sdelay $0x3  }
0x33: {  	p0 =	seq.s32 s10, $0x1;
	s10 =	sld [smem:$0x3FB4];
	_ =	sdelay $0x3  }
0x34: {  	[smem:$0x3FB4] =	sst s10  }
0x35: {  	s10 =	sld [smem:$0x3FB3];
	_ =	sdelay $0x3  }
0x36: {  	p1 =	seq.s32 s10, $0x1;
	s10 =	sld [smem:$0x3FB4];
	_ =	sdelay $0x3  }
0x37: {  	[smem:$0x3FB4] =	sst s10  }
0x38: {  	s10 =	sld [smem:$0x3FB5]  }
0x39: {  	_ = 	snop;
	(pc) =	sbr.ind lr, $3  }
0x3a: {  	_ = 	snop  }
0x3b: {  	_ = 	snop  }
0x3c: {  	p2 =	seq.s32 s10, $0x1;
	s10 =	sld [smem:$0x3FB4]  }
0x3d: {  	_ =	shalt  }
0x3e: {  	_ =	shalt  }
0x3f: {  	_ =	shalt  }
0x40: {  	_ =	shalt  }
0x41: {  	_ =	shalt  }
0x42: {  	_ =	shalt  }
0x43: {  	_ =	shalt  }
0x44: {  	_ =	shalt  }
0x45: {  	_ =	shalt  }
0x46: {  	_ =	shalt  }
0x47: {  	_ =	shalt  }
0x48: {  	_ =	shalt  }
0x49: {  	_ =	shalt  }
0x4a: {  	_ =	shalt  }
0x4b: {  	_ =	shalt  }
0x4c: {  	_ =	shalt  }
0x4d: {  	_ =	shalt  }
0x4e: {  	_ =	shalt  }
0x4f: {  	_ =	shalt  }
0x50: {  	_ =	shalt  }
0x51: {  	_ =	shalt  }
0x52: {  	_ =	shalt  }
0x53: {  	_ =	shalt  }
0x54: {  	_ =	shalt  }
0x55: {  	_ =	shalt  }
0x56: {  	_ =	shalt  }
0x57: {  	_ =	shalt  }
0x58: {  	_ =	shalt  }
0x59: {  	_ =	shalt  }
0x5a: {  	_ =	shalt  }
0x5b: {  	_ =	shalt  }
0x5c: {  	_ =	shalt  }
0x5d: {  	_ =	shalt  }
0x5e: {  	_ =	shalt  }
0x5f: {  	_ =	shalt  }
0x60: {  	_ =	shalt  }
0x61: {  	_ =	shalt  }
0x62: {  	_ =	shalt  }
0x63: {  	_ =	shalt  }
0x64: {  	_ =	shalt  }
0x65: {  	_ =	shalt  }
0x66: {  	_ =	shalt  }
0x67: {  	_ =	shalt  }
0x68: {  	_ =	shalt  }
0x69: {  	_ =	shalt  }
0x6a: {  	_ =	shalt  }
0x6b: {  	_ =	shalt  }
0x6c: {  	_ =	shalt  }
0x6d: {  	_ =	shalt  }
0x6e: {  	_ =	shalt  }
0x6f: {  	_ =	shalt  }
0x70: {  	_ =	shalt  }
0x71: {  	_ =	shalt  }
0x72: {  	_ =	shalt  }
0x73: {  	_ =	shalt  }
0x74: {  	_ =	shalt  }
0x75: {  	_ =	shalt  }
0x76: {  	_ =	shalt  }
0x77: {  	_ =	shalt  }
0x78: {  	_ =	shalt  }
0x79: {  	_ =	shalt  }
0x7a: {  	_ =	shalt  }
0x7b: {  	_ =	shalt  }
0x7c: {  	_ =	shalt  }
0x7d: {  	_ =	shalt  }
0x7e: {  	_ =	shalt  }
0x7f: {  	_ =	shalt  }
0x80: {  	_ =	shalt  }
0x81: {  	_ =	shalt  }
0x82: {  	_ =	shalt  }
0x83: {  	_ =	shalt  }
0x84: {  	_ =	shalt  }
0x85: {  	_ =	shalt  }
0x86: {  	_ =	shalt  }
0x87: {  	_ =	shalt  }
.Lfunc_end0:
.L_simem_size_0:
called_computation.2_lowered:
.L_overlay_start_0:
0x88: {  	s2 =	sld [smem:$0x3FD9]  }
0x89: {  	s3 =	sld [smem:$0x3FFE];
	_ =	sdelay $0x1  }
0x8a: {  	s1 =	srdreg.scid  }
0x8b: {  	s0 =	sand.u32 $0x1, s1  }
0x8c: {  	s16 =	sshll.u32 s0, $0xA;
	s2 =	sadd.s32 s3, s2  }
0x8d: {  	s2 =	sadd.s32 s2, s16  }
0x8e: {  	[smem:$0x3FC0] =	sst s2  }
0x8f: {  	_ = 	snop  }
0x90: {  	(tm) =	ssettm $0x1  }
0x91: {  	s17 =	sld [smem:$0x3FFB];
	_ =	sdelay $0x3  }
0x92: {  	_ =	strace s17  }
0x93: {  	s2 =	sld [smem:$0x3FFC];
	_ =	sdelay $0x3  }
0x94: {  	_ =	strace s2  }
0x95: {  	s2 =	sld [smem:$0x3FFD];
	_ =	sdelay $0x3  }
0x96: {  	_ =	strace s2  }
0x97: {  	_ =	strace $0x8FFFFFFF  }
0x98: {  	s18 =	sld [smem:$0x3FDB];
	_ =	sdelay $0x1  }
0x99: {  	s19 =	simm.s32 $_scs_section_size  }
0x9a: {  	s4 =	simm.s32 $_size__tile_overlayer_lowered;
	s5 =	simm.s32 $_tile_overlayer_lowered  }
0x9b: {  	s22 =	simm.s32 $0x1BFF;
	s21 =	sshll.u32 s5, $0x1;
	s2 =	sadd.s32 s19, s18  }
0x9c: {  	s6 =	simm.s32 $0x0;
	s20 =	sshll.u32 s4, $0x1;
	s4 =	sadd.s32 s21, s2  }
0x9d: {  	[timem:s6], [sflag:s22] =	dma.local [hbm:s4], s20  }
0x9e: {  	_ =	swait.ge [sflag:s22], s20  }
0x9f: {  	s3 =	ssub.s32 $0x0, s20;
	[sflag:s22] =	ssyncset.done $0x0  }
0xa0: {  	[sflag:s22] =	ssyncadd.s32 s3;
	_ =	sdelay $0x1  }
0xa1: {  	s23 =	simm.s32 $0x1B8B  }
0xa2: {  	_ =	swait.ge [sflag:s23], $0x1  }
0xa3: {  	[sflag:s23] =	ssyncset.done $0x0  }
0xa4: {  	s25 =	simm.s32 $0x1B8E;
	s24 =	sld [smem:$0x3FFE];
	[sflag:s23] =	ssyncadd.s32 $0xFFFFFFFF  }
0xa5: {  	s26 =	simm.s32 $execute0_lowered;
	[smem:$0x3FD2] =	sst s25  }
0xa6: {  	s4 =	sshll.u32 s26, $0x1;
	_ =	strace $0x8000004C;
	[dreg:$0x1] =	wrdreg $0xFFFFFFFF  }
0xa7: {  	s28 =	simm.s32 $_size_execute0_lowered;
	s2 =	sadd.s32 s2, s4;
	[dreg:$0x0] =	wrdreg $0x0  }
0xa8: {  	s4 =	sshll.u32 s28, $0x1;
	[dreg:$0x2] =	wrdreg s2  }
0xa9: {  	[dreg:$0x3] =	wrdreg s4  }
0xaa: {  	[dreg:$0x4] =	wrdreg $0xC0  }
0xab: {  	_ =	task [dreg:s6], $0x5FFFF  }
0xac: {  	[dreg:$0x1] =	wrdreg $0xFFFFFFFF  }
0xad: {  	[dreg:$0x0] =	wrdreg $0x60  }
0xae: {  	[dreg:$0x2] =	wrdreg s24  }
0xaf: {  	[dreg:$0x3] =	wrdreg $0x9  }
0xb0: {  	_ =	task.clear_ibuf [dreg:s6], $0x4FFFF;
	_ =	strace $0x9000004C  }
0xb1: {  	s29 =	simm.s32 $0x9;
	_ =	strace $0x8000004E  }
0xb2: {  	_ =	swait.ge [sflag:s29], $0x1  }
0xb3: {  	[sflag:s29] =	ssyncadd.s32 $0xFFFFFFFF  }
0xb4: {  	_ =	strace $0x9000004E  }
0xb5: {  	_ =	sfence  }
0xb6: {  	s30 =	sld [smem:$0x0];
	_ =	sdelay $0x2  }
0xb7: {  	s31 =	sshll.u32 s1, $0xD;
	s1 =	sshrl.u32 s1, $0x2  }
0xb8: {  	s3 =	sand.u32 $0x4000, s31;
	s1 =	sadd.s32 s1, s30  }
0xb9: {  	s0 =	sor.u32 s3, s0;
	s1 =	sshll.u32 s1, $0x11  }
0xba: {  	s0 =	sor.u32 s1, s0  }
0xbb: {  	s0 =	sadd.s32 $0x8F2B, s0  }
0xbc: {  	[sflag:s0] =	ssyncadd.remote.s32 $0x1  }
0xbd: {  	_ =	sfence.sel $0xFFFF  }
0xbe: {  	[dreg:$0x0] =	wrdreg $0xFFFFFFFF;
	(pc) =	sbr.abs _section_cstart, $3  }
0xbf: {  	[dreg:$0x1] =	wrdreg $0xFFFFFFFF  }
0xc0: {  	_ =	task.clear_ibuf [dreg:s6], $0x2FFFF;
	_ =	strace $0x9FFFFFFF  }
0xc1: {  	(tm) =	ssettm $0x7FFFFFFF  }
tec
execute0_lowered:
.L_overlay_start_1:
0x0: {  	(tag) =	ssettag $0x1  }
0x1: {  	s0 =	rddreg [dreg:$0x0];
	s1 =	srdreg.scid;
	s2 =	simm.s32 $0x0  }
0x2: {  	s3 =	stileid.u32;
	s15 =	simm.s32 $0x7;
	s17 =	simm.s32 $0x20  }
0x3: {  	s18 =	simm.s32 $0x80;
	s19 =	simm.s32 $0x1;
	s28 =	simm.s32 $0xC0  }
0x4: {  	s29 =	simm.s32 $0xC0C0;
	s30 =	simm.s32 $0x150C0;
	s31 =	simm.s32 $0x5  }
0x5: {  	s1 =	sand.u32 $0x1, s1;
	[smem:$0x7FF] =	sst s2;
	s4 =	sshll.u32 s3, $0x7  }
0x6: {  	s3 =	sadd.s32 $0x3800, s0;
	s20 =	sadd.s32 $0x274400, s0;
	s5 =	sshll.u32 s1, $0x6  }
0x7: {  	_ =	strace $0x8000004D;
	s1 =	ssub.s32 $0x2, s1;
	s4 =	sor.u32 s5, s4  }
0x8: {  	s7 =	sshrl.u32 s1, $0x1;
	s6 =	sshrl.u32 s4, $0x3;
	s8 =	smul.u32 $0x60, s4  }
0x9: {  	s1 =	ssub.s32 s1, s7;
	s4 =	smul.u32 $0x300, s4;
	s6 =	sadd.s32 s6, s0  }
0xa: {  	s0 =	sadd.s32 $0x93800, s0;
	s14 =	smax.u32 s1, $0x1;
	s21 =	sadd.s32 $0x3600, s6  }
0xb: {  	s1 =	simm.s32 $0x0;
	s6 =	sadd.s32 $0x3400, s6;
	[dreg:$0x2] =	wrdreg s21  }
0xc: {  	s22 =	sor.u32 $0x600, s8;
	s23 =	sadd.s32 s20, s8;
	[dreg:$0x3] =	wrdreg s6  }
0xd: {  	s4 =	sshrl.u32 s4, $0x3;
	s25 =	sadd.s32 s0, s8;
	[dreg:$0x4] =	wrdreg s23  }
0xe: {  	s24 =	sadd.s32 s20, s22;
	[dreg:$0x6] =	wrdreg s25;
	s26 =	sadd.s32 $0xC00, s4  }
0xf: {  	s4 =	sadd.s32 $0x1200, s4;
	s10 =	sadd.s32 s0, s22;
	s21 =	simm.s32 $0xA0  }
0x10: {  	s22 =	simm.s32 $0x60C0;
	s23 =	simm.s32 $0xF0C0;
	s25 =	simm.s32 $0x2  }
0x11: {  	[dreg:$0x5] =	wrdreg s24;
	s9 =	sadd.s32 s20, s26;
	s11 =	sadd.s32 s20, s4  }
0x12: {  	s12 =	sadd.s32 s0, s26;
	s13 =	sadd.s32 s0, s4;
	s20 =	simm.s32 $0x3  }
0x13: {  	s24 =	simm.s32 $0x120C0;
	s26 =	simm.s32 $0x4;
	s0 =	simm.s32 $0x6  }
.LBB2_1:
0x14: {  	s4 =	rddreg [dreg:$0x2]  }
0x15: {  	[tilespmem:s2], [sflag:$0x7] =	stream.linear.gather [hbm4b:s4+s2], $0x40, $0x38;
	[tilespmem:$0x180C0] =	vst v63  }
0x16: {  	_ =	swait.ge [sflag:s15], $0x40  }
0x17: {  	[sflag:s15] =	ssyncset.done $0x0  }
0x18: {  	s5 =	simm.s32 $0x40;
	s7 =	rddreg [dreg:$0x3];
	[sflag:s15] =	ssyncadd.s32 $0xFFFFFFC0  }
0x19: {  	[tilespmem:s5], [sflag:$0x7] =	stream.linear.gather [hbm4b:s7+s2], $0x40, $0x38;
	[tilespmem:$0x180C0] =	vst v63  }
0x1a: {  	_ =	swait.ge [sflag:s15], $0x40  }
0x1b: {  	[sflag:s15] =	ssyncset.done $0x0  }
0x1c: {  	[sflag:s15] =	ssyncadd.s32 $0xFFFFFFC0  }
0x1d: {  	v0 =	vld [tilespmem:$0x0]  }
0x1e: {  	v1 =	vld [tilespmem:$0x40];
	_ =	sdelay $0x3  }
0x1f: {  	[tilespmem:$0x80] =	vst v0  }
0x20: {  	[tilespmem:$0x90] =	vst v1  }
0x21: {  	[tilespmem:s28], [sflag:$0x1] =	stream.indirect.gather [hbm4b:s3+s17], $0x300, s18, s17, $0xb8;
	[tilespmem:$0x180C0] =	vst v63  }
0x22: {  	s8 =	rddreg [dreg:$0x4]  }
0x23: {  	[tilespmem:s29], [sflag:$0x3] =	stream.linear.gather [hbm4b:s8+s2], $0x3000, $0x38;
	[tilespmem:$0x180C0] =	vst v63  }
0x24: {  	_ =	swait.ge [sflag:s19], $0x6000  }
0x25: {  	[sflag:s19] =	ssyncset.done $0x0  }
0x26: {  	[sflag:s19] =	ssyncadd.s32 $0xFFFFA000  }
0x27: {  	_ =	swait.ge [sflag:s20], $0x3000  }
0x28: {  	[sflag:s20] =	ssyncset.done $0x0  }
0x29: {  	[sflag:s20] =	ssyncadd.s32 $0xFFFFD000  }
0x2a: {  	v62 =	vld [tilespmem:$0x10]  }
0x2b: {  	v63 =	vld [tilespmem:$0x50];
	_ =	sdelay $0x3  }
0x2c: {  	[tilespmem:$0xA0] =	vst v62  }
0x2d: {  	[tilespmem:$0xB0] =	vst v63  }
0x2e: {  	[tilespmem:s22], [sflag:$0x2] =	stream.indirect.gather [hbm4b:s3+s17], $0x300, s21, s17, $0xb8;
	[tilespmem:$0x180C0] =	vst v63  }
0x2f: {  	s6 =	simm.s32 $0x0;
	s16 =	rddreg [dreg:$0x5]  }
0x30: {  	[tilespmem:s23], [sflag:$0x4] =	stream.linear.gather [hbm4b:s16+s2], $0x3000, $0x38;
	[tilespmem:$0x180C0] =	vst v63  }
0x31: {  	s4 =	simm.s32 $0xC0C0;
	s5 =	simm.s32 $0xC0;
	s16 =	simm.s32 $0x120C0  }
.LBB2_2:
0x32: {  	v1 =	vmov s5;
	_ =	sdelay $0x2  }
0x33: {  	v2 =	vmov s4  }
0x34: {  	s7 =	simm.s32 $0x0  }
0x35: {  	v0 =	vmov s16;
	s8 =	simm.s32 $0x40;
	v3 =	vld.idx.msk [tilespmem:v1+s7+$0x3000 ss:$0x1], $0xffff  }
.LBB2_3:
0x36: {  	p0 =	sne.s32 s8, $0xBC0;
	v4 =	vld.idx.msk [tilespmem:v1+s7+$0x0 ss:$0x1], $0xffff;
	_ =	sdelay $0x1  }
0x37: {  	v5 =	vld.idx.msk [tilespmem:v2+s7+$0x0 ss:$0x1], $0xffff;
	_ =	sdelay $0x3  }
0x38: {  	v3 =	vadd.f32 v3, v4  }
.Ltmp0:
0x39: {  	(pc) =	sbr.rel @p0 .LBB2_3-.Ltmp0, $3  }
0x3a: {  	v3 =	vadd.f32 v5, v3;
	_ =	sdelay $0x1  }
0x3b: {  	[tilespmem:v0+s7+$0x0 ss:$0x1] =	vst.idx.msk $0xffff, v3;
	s7 =	sshra.s32 s8, $0x2  }
0x3c: {  	s8 =	sadd.s32 $0x40, s8;
	v3 =	vld.idx.msk [tilespmem:v1+s7+$0x3000 ss:$0x1], $0xffff  }
0x3d: {  	_ =	sdelay $0x3  }
0x3e: {  	v1 =	vld.idx.msk [tilespmem:v1+s7+$0x0 ss:$0x1], $0xffff;
	_ =	sdelay $0x1  }
0x3f: {  	v2 =	vld.idx.msk [tilespmem:v2+s7+$0x0 ss:$0x1], $0xffff  }
0x40: {  	s6 =	sadd.s32 $0x1, s6  }
0x41: {  	p0 =	sne.s32 s6, $0x10  }
.Ltmp1:
0x42: {  	v1 =	vadd.f32 v3, v1;
	(pc) =	sbr.rel @p0 .LBB2_2-.Ltmp1, $3  }
0x43: {  	_ = 	snop  }
0x44: {  	v1 =	vadd.f32 v2, v1;
	_ =	sdelay $0x1  }
0x45: {  	s5 =	sadd.s32 $0x300, s5;
	s4 =	sadd.s32 $0x300, s4;
	s16 =	sadd.s32 $0x300, s16;
	[tilespmem:v0+s7+$0x0 ss:$0x1] =	vst.idx.msk $0xffff, v1  }
0x46: {  	s16 =	simm.s32 $0x0;
	s4 =	rddreg [dreg:$0x6]  }
0x47: {  	[hbm4b:s4+s16] =	stream.linear.scatter [tilespmem:s24], [sflag:$0x5], $0x3000, $0x38;
	[tilespmem:$0x180C0] =	vst v63  }
0x48: {  	_ =	swait.ge [sflag:s25], $0x6000  }
0x49: {  	[sflag:s25] =	ssyncset.done $0x0  }
0x4a: {  	[sflag:s25] =	ssyncadd.s32 $0xFFFFA000  }
0x4b: {  	_ =	swait.ge [sflag:s26], $0x3000  }
0x4c: {  	[sflag:s26] =	ssyncset.done $0x0  }
0x4d: {  	[sflag:s26] =	ssyncadd.s32 $0xFFFFD000  }
0x4e: {  	v0 =	vld [tilespmem:$0x20]  }
0x4f: {  	v1 =	vld [tilespmem:$0x60];
	_ =	sdelay $0x3  }
0x50: {  	[tilespmem:$0x80] =	vst v0  }
0x51: {  	[tilespmem:$0x90] =	vst v1  }
0x52: {  	[tilespmem:s28], [sflag:$0x1] =	stream.indirect.gather [hbm4b:s3+s17], $0x300, s18, s17, $0xb8;
	[tilespmem:$0x180C0] =	vst v63  }
0x53: {  	s5 =	simm.s32 $0xF0C0;
	s6 =	simm.s32 $0x150C0;
	s4 =	simm.s32 $0x60C0  }
0x54: {  	[tilespmem:s29], [sflag:$0x3] =	stream.linear.gather [hbm4b:s9+s16], $0x3000, $0x38;
	[tilespmem:$0x180C0] =	vst v63  }
.LBB2_6:
0x55: {  	v1 =	vmov s4;
	_ =	sdelay $0x2  }
0x56: {  	v2 =	vmov s5  }
0x57: {  	s7 =	simm.s32 $0x0  }
0x58: {  	v0 =	vmov s6;
	s8 =	simm.s32 $0x40;
	v3 =	vld.idx.msk [tilespmem:v1+s7+$0x3000 ss:$0x1], $0xffff  }
.LBB2_7:
0x59: {  	p0 =	sne.s32 s8, $0xBC0;
	v4 =	vld.idx.msk [tilespmem:v1+s7+$0x0 ss:$0x1], $0xffff;
	_ =	sdelay $0x1  }
0x5a: {  	v5 =	vld.idx.msk [tilespmem:v2+s7+$0x0 ss:$0x1], $0xffff;
	_ =	sdelay $0x3  }
0x5b: {  	v3 =	vadd.f32 v3, v4  }
.Ltmp2:
0x5c: {  	(pc) =	sbr.rel @p0 .LBB2_7-.Ltmp2, $3  }
0x5d: {  	v3 =	vadd.f32 v5, v3;
	_ =	sdelay $0x1  }
0x5e: {  	[tilespmem:v0+s7+$0x0 ss:$0x1] =	vst.idx.msk $0xffff, v3;
	s7 =	sshra.s32 s8, $0x2  }
0x5f: {  	s8 =	sadd.s32 $0x40, s8;
	v3 =	vld.idx.msk [tilespmem:v1+s7+$0x3000 ss:$0x1], $0xffff  }
0x60: {  	_ =	sdelay $0x3  }
0x61: {  	v1 =	vld.idx.msk [tilespmem:v1+s7+$0x0 ss:$0x1], $0xffff;
	_ =	sdelay $0x1  }
0x62: {  	v2 =	vld.idx.msk [tilespmem:v2+s7+$0x0 ss:$0x1], $0xffff  }
0x63: {  	s16 =	sadd.s32 $0x1, s16  }
0x64: {  	p0 =	sne.s32 s16, $0x10  }
.Ltmp3:
0x65: {  	v1 =	vadd.f32 v3, v1;
	(pc) =	sbr.rel @p0 .LBB2_6-.Ltmp3, $3  }
0x66: {  	_ = 	snop  }
0x67: {  	v1 =	vadd.f32 v2, v1;
	_ =	sdelay $0x1  }
0x68: {  	s4 =	sadd.s32 $0x300, s4;
	s5 =	sadd.s32 $0x300, s5;
	s6 =	sadd.s32 $0x300, s6;
	[tilespmem:v0+s7+$0x0 ss:$0x1] =	vst.idx.msk $0xffff, v1  }
0x69: {  	s16 =	simm.s32 $0x0  }
0x6a: {  	[hbm4b:s10+s16] =	stream.linear.scatter [tilespmem:s30], [sflag:$0x6], $0x3000, $0x38;
	[tilespmem:$0x180C0] =	vst v63  }
0x6b: {  	_ =	swait.ge [sflag:s19], $0x6000  }
0x6c: {  	[sflag:s19] =	ssyncset.done $0x0  }
0x6d: {  	[sflag:s19] =	ssyncadd.s32 $0xFFFFA000  }
0x6e: {  	_ =	swait.ge [sflag:s20], $0x3000  }
0x6f: {  	[sflag:s20] =	ssyncset.done $0x0  }
0x70: {  	[sflag:s20] =	ssyncadd.s32 $0xFFFFD000  }
0x71: {  	v0 =	vld [tilespmem:$0x30]  }
0x72: {  	v1 =	vld [tilespmem:$0x70];
	_ =	sdelay $0x3  }
0x73: {  	[tilespmem:$0xA0] =	vst v0  }
0x74: {  	[tilespmem:$0xB0] =	vst v1  }
0x75: {  	[tilespmem:s22], [sflag:$0x2] =	stream.indirect.gather [hbm4b:s3+s17], $0x300, s21, s17, $0xb8;
	[tilespmem:$0x180C0] =	vst v63  }
0x76: {  	_ = 	snop  }
0x77: {  	[tilespmem:s23], [sflag:$0x4] =	stream.linear.gather [hbm4b:s11+s16], $0x3000, $0x38;
	[tilespmem:$0x180C0] =	vst v63  }
0x78: {  	_ =	swait.ge [sflag:s31], $0x3000  }
0x79: {  	s4 =	simm.s32 $0xC0;
	[sflag:s31] =	ssyncset.done $0x0  }
0x7a: {  	s5 =	simm.s32 $0xC0C0;
	s6 =	simm.s32 $0x120C0;
	[sflag:s31] =	ssyncadd.s32 $0xFFFFD000  }
.LBB2_10:
0x7b: {  	v1 =	vmov s4;
	_ =	sdelay $0x2  }
0x7c: {  	v2 =	vmov s5  }
0x7d: {  	s7 =	simm.s32 $0x0  }
0x7e: {  	v0 =	vmov s6;
	s8 =	simm.s32 $0x40;
	v3 =	vld.idx.msk [tilespmem:v1+s7+$0x3000 ss:$0x1], $0xffff  }
.LBB2_11:
0x7f: {  	p0 =	sne.s32 s8, $0xBC0;
	v4 =	vld.idx.msk [tilespmem:v1+s7+$0x0 ss:$0x1], $0xffff;
	_ =	sdelay $0x1  }
0x80: {  	v5 =	vld.idx.msk [tilespmem:v2+s7+$0x0 ss:$0x1], $0xffff;
	_ =	sdelay $0x3  }
0x81: {  	v3 =	vadd.f32 v3, v4  }
.Ltmp4:
0x82: {  	(pc) =	sbr.rel @p0 .LBB2_11-.Ltmp4, $3  }
0x83: {  	v3 =	vadd.f32 v5, v3;
	_ =	sdelay $0x1  }
0x84: {  	[tilespmem:v0+s7+$0x0 ss:$0x1] =	vst.idx.msk $0xffff, v3;
	s7 =	sshra.s32 s8, $0x2  }
0x85: {  	s8 =	sadd.s32 $0x40, s8;
	v3 =	vld.idx.msk [tilespmem:v1+s7+$0x3000 ss:$0x1], $0xffff  }
0x86: {  	_ =	sdelay $0x3  }
0x87: {  	v1 =	vld.idx.msk [tilespmem:v1+s7+$0x0 ss:$0x1], $0xffff;
	_ =	sdelay $0x1  }
0x88: {  	v2 =	vld.idx.msk [tilespmem:v2+s7+$0x0 ss:$0x1], $0xffff  }
0x89: {  	s16 =	sadd.s32 $0x1, s16  }
0x8a: {  	p0 =	sne.s32 s16, $0x10  }
.Ltmp5:
0x8b: {  	v1 =	vadd.f32 v3, v1;
	(pc) =	sbr.rel @p0 .LBB2_10-.Ltmp5, $3  }
0x8c: {  	_ = 	snop  }
0x8d: {  	v1 =	vadd.f32 v2, v1;
	_ =	sdelay $0x1  }
0x8e: {  	s4 =	sadd.s32 $0x300, s4;
	s5 =	sadd.s32 $0x300, s5;
	s6 =	sadd.s32 $0x300, s6;
	[tilespmem:v0+s7+$0x0 ss:$0x1] =	vst.idx.msk $0xffff, v1  }
0x8f: {  	s16 =	simm.s32 $0x0  }
0x90: {  	[hbm4b:s12+s16] =	stream.linear.scatter [tilespmem:s24], [sflag:$0x5], $0x3000, $0x38;
	[tilespmem:$0x180C0] =	vst v63  }
0x91: {  	_ =	swait.ge [sflag:s25], $0x6000  }
0x92: {  	[sflag:s25] =	ssyncset.done $0x0  }
0x93: {  	[sflag:s25] =	ssyncadd.s32 $0xFFFFA000  }
0x94: {  	_ =	swait.ge [sflag:s26], $0x3000  }
0x95: {  	[sflag:s26] =	ssyncset.done $0x0  }
0x96: {  	[sflag:s26] =	ssyncadd.s32 $0xFFFFD000  }
0x97: {  	_ =	swait.ge [sflag:s0], $0x3000  }
0x98: {  	s4 =	simm.s32 $0x60C0;
	[sflag:s0] =	ssyncset.done $0x0  }
0x99: {  	s5 =	simm.s32 $0xF0C0;
	s6 =	simm.s32 $0x150C0;
	[sflag:s0] =	ssyncadd.s32 $0xFFFFD000  }
.LBB2_14:
0x9a: {  	v1 =	vmov s4;
	_ =	sdelay $0x2  }
0x9b: {  	v2 =	vmov s5  }
0x9c: {  	s7 =	simm.s32 $0x0  }
0x9d: {  	v0 =	vmov s6;
	s8 =	simm.s32 $0x40;
	v3 =	vld.idx.msk [tilespmem:v1+s7+$0x3000 ss:$0x1], $0xffff  }
.LBB2_15:
0x9e: {  	p0 =	sne.s32 s8, $0xBC0;
	v4 =	vld.idx.msk [tilespmem:v1+s7+$0x0 ss:$0x1], $0xffff;
	_ =	sdelay $0x1  }
0x9f: {  	v5 =	vld.idx.msk [tilespmem:v2+s7+$0x0 ss:$0x1], $0xffff;
	_ =	sdelay $0x3  }
0xa0: {  	v3 =	vadd.f32 v3, v4  }
.Ltmp6:
0xa1: {  	(pc) =	sbr.rel @p0 .LBB2_15-.Ltmp6, $3  }
0xa2: {  	v3 =	vadd.f32 v5, v3;
	_ =	sdelay $0x1  }
0xa3: {  	[tilespmem:v0+s7+$0x0 ss:$0x1] =	vst.idx.msk $0xffff, v3;
	s7 =	sshra.s32 s8, $0x2  }
0xa4: {  	s8 =	sadd.s32 $0x40, s8;
	v3 =	vld.idx.msk [tilespmem:v1+s7+$0x3000 ss:$0x1], $0xffff  }
0xa5: {  	_ =	sdelay $0x3  }
0xa6: {  	v1 =	vld.idx.msk [tilespmem:v1+s7+$0x0 ss:$0x1], $0xffff;
	_ =	sdelay $0x1  }
0xa7: {  	v2 =	vld.idx.msk [tilespmem:v2+s7+$0x0 ss:$0x1], $0xffff  }
0xa8: {  	s16 =	sadd.s32 $0x1, s16  }
0xa9: {  	p0 =	sne.s32 s16, $0x10  }
.Ltmp7:
0xaa: {  	v1 =	vadd.f32 v3, v1;
	(pc) =	sbr.rel @p0 .LBB2_14-.Ltmp7, $3  }
0xab: {  	_ = 	snop  }
0xac: {  	v1 =	vadd.f32 v2, v1;
	_ =	sdelay $0x1  }
0xad: {  	s4 =	sadd.s32 $0x300, s4;
	s5 =	sadd.s32 $0x300, s5;
	s6 =	sadd.s32 $0x300, s6;
	[tilespmem:v0+s7+$0x0 ss:$0x1] =	vst.idx.msk $0xffff, v1  }
0xae: {  	[hbm4b:s13+s2] =	stream.linear.scatter [tilespmem:s30], [sflag:$0x6], $0x3000, $0x38;
	[tilespmem:$0x180C0] =	vst v63  }
0xaf: {  	s1 =	sadd.s32 $0x1, s1  }
0xb0: {  	_ =	swait.ge [sflag:s31], $0x3000;
	p0 =	sne.s32 s1, s14  }
.Ltmp8:
0xb1: {  	[sflag:s31] =	ssyncset.done $0x0;
	(pc) =	sbr.rel @p0 .LBB2_1-.Ltmp8, $4  }
0xb2: {  	[sflag:s31] =	ssyncadd.s32 $0xFFFFD000  }
0xb3: {  	_ =	swait.ge [sflag:s0], $0x3000  }
0xb4: {  	[sflag:s0] =	ssyncset.done $0x0  }
0xb5: {  	[sflag:s0] =	ssyncadd.s32 $0xFFFFD000  }
0xb6: {  	_ =	sfence.sel $0x180000  }
0xb7: {  	[bflag:$0x0] =	sbarrier.arrive $0xFFFF  }
0xb8: {  	_ =	strace $0x9000004D  }
0xb9: {  	s0 =	stileid.u32;
	[bflag:$0x2] =	sbarrier.arrive $0xFFFF  }
0xba: {  	p0 =	sne.s32 s0, $0x0;
	s0 =	rddreg [dreg:$0x1]  }
0xbb: {  	s0 =	sadd.s32 @!p0 $0x100000, s0  }
0xbc: {  	[sflag:s0] =	ssyncadd.tile.s32 @!p0 $0x1;
	_ =	shalt  }
.Lfunc_end2:
_tile_overlayer_lowered:
.L_overlay_start_2:
0xbd: {  	(tag) =	ssettag $0x2  }
0xbe: {  	s0 =	rddreg [dreg:$0x0];
	s2 =	stileid.u32  }
0xbf: {  	s1 =	rddreg [dreg:$0x1];
	p0 =	sne.s32 s2, $0x0  }
0xc0: {  	s3 =	rddreg [dreg:$0x2];
	[bflag:$0x3] =	sbarrier.arrive $0xFFFF;
	s2 =	simm.s32 @!p0 $0x1C07  }
0xc1: {  	[timem:s3], [sflag:s2] =	dma.local @!p0 [hbm:s0], s1  }
0xc2: {  	s0 =	simm.s32 @!p0 $0x7  }
0xc3: {  	_ =	swait.ge @!p0 [sflag:s0], s1  }
0xc4: {  	s1 =	ssub.s32 @!p0 $0x0, s1;
	[sflag:s0] =	ssyncset.done @!p0 $0x0  }
0xc5: {  	[sflag:s0] =	ssyncadd.s32 @!p0 s1  }
0xc6: {  	[bflag:$0x3] =	sbarrier.arrive $0xFFFF  }
0xc7: {  	_ =	shalt  }

// kernel: kernel.8.cloned.1.call-start
scs
__scs_entry_jumppad:
0x0: {  	(pc) =	sbr.rel $0x88, $3  }
0x1: {  	(tag) =	ssettag $0x0;
	lr =	simm.s32 $0x1  }
0x2: {  	[smem:$0x3F99] =	sst lr;
	_ =	strace $0xD0000000  }
0x3: {  	_ = 	snop  }
0x4: {  	_ = 	snop  }
0x5: {  	_ = 	snop  }
0x6: {  	_ = 	snop  }
0x7: {  	_ = 	snop  }
__scs_overlays_trampoline_lowered:
0x8: {  	[smem:$0x3FA8] =	sst s0  }
0x9: {  	[smem:$0x3FA9] =	sst s1  }
0xa: {  	[smem:$0x3FAA] =	sst s2  }
0xb: {  	[smem:$0x3FAB] =	sst s3  }
0xc: {  	[smem:$0x3FAC] =	sst s4  }
0xd: {  	[smem:$0x3FAD] =	sst s5  }
0xe: {  	[smem:$0x3FAE] =	sst s6  }
0xf: {  	[smem:$0x3FAF] =	sst s7  }
0x10: {  	[smem:$0x3FB0] =	sst s8  }
0x11: {  	[smem:$0x3FB1] =	sst s9;
	s0 =	simm.s32 @!p0 $0x0  }
0x12: {  	s1 =	sld [smem:$0x3F97];
	s0 =	simm.s32 @p0 $0x1  }
0x13: {  	[smem:$0x3FB2] =	sst s0;
	s0 =	simm.s32 @!p1 $0x0  }
0x14: {  	s2 =	sld [smem:$0x3F96];
	s0 =	simm.s32 @p1 $0x1  }
0x15: {  	[smem:$0x3FB3] =	sst s0;
	s0 =	simm.s32 @!p2 $0x0  }
0x16: {  	s3 =	sld [smem:$0x3FDB];
	s0 =	simm.s32 @p2 $0x1  }
0x17: {  	s4 =	simm.s32 $0x1BF5;
	[smem:$0x3FB5] =	sst s0  }
0x18: {  	s0 =	sld [smem:$0x3F98];
	_ =	swait.ge [sflag:s4], $0x0  }
0x19: {  	s7 =	sld [smem:$0x3F99]  }
0x1a: {  	s8 =	sadd.s32 $0xFFFFE003, lr  }
0x1b: {  	s9 =	sadd.s32 $0xFFFFFEF7, lr;
	s5 =	simm.s32 $0xFFFFFFFF;
	p2 =	slt.u32 s8, $0xFFFFF086  }
0x1c: {  	p1 =	slt.u32 s9, $0xF7A;
	s5 =	simm.s32 @!p2 $0x0  }
0x1d: {  	s5 =	simm.s32 @p1 $0x1;
	p0 =	seq.s32 s7, s2  }
0x1e: {  	s7 =	smul.u32 @!p0 $0xF7A, s2;
	p2 =	seq.s32 @!p0 s5, $0x0  }
0x1f: {  	s9 =	smul.u32 $0xF7A, s1;
	s8 =	simm.s32 @!p0 $0x1BF5;
	p2 =	por !p2, p0  }
0x20: {  	[sflag:s8] =	ssyncset.s32 @!p0 $0xFFFFF086;
	s6 =	sadd.s32 @!p0 s3, s7;
	s7 =	simm.s32 @!p0 $0x108  }
0x21: {  	s3 =	sadd.s32 s3, s9;
	s6 =	sadd.s32 @!p0 $0x88, s6;
	s7 =	simm.s32 @p2 $0x1082  }
0x22: {  	[simem:s7], [sflag:s8] =	dma.local @!p0 [hbm:s6], $0xF7A  }
0x23: {  	s9 =	sor.u32 $0xD0000000, s2;
	s6 =	simm.s32 $0x108;
	_ =	swait.ge @!p0 [sflag:s8], $0x0  }
0x24: {  	s3 =	sadd.s32 $0x88, s3;
	s6 =	simm.s32 @!p1 $0x1082;
	[sflag:s4] =	ssyncset.s32 $0xFFFFF086  }
0x25: {  	[simem:s6], [sflag:s4] =	dma.local [hbm:s3], $0xF7A  }
0x26: {  	[smem:$0x3F99] =	sst s1;
	(tag) =	ssettag s2;
	_ =	strace s9  }
0x27: {  	s1 =	sld [smem:$0x3FA9]  }
0x28: {  	s2 =	sld [smem:$0x3FAA]  }
0x29: {  	s4 =	sld [smem:$0x3FAC]  }
0x2a: {  	p0 =	seq.s32 s5, $0x0;
	s5 =	sld [smem:$0x3FAD]  }
0x2b: {  	s6 =	sld [smem:$0x3FAE]  }
0x2c: {  	s7 =	sld [smem:$0x3FAF]  }
0x2d: {  	s3 =	simm.s32 $0x108;
	s8 =	sld [smem:$0x3FB0]  }
0x2e: {  	s3 =	simm.s32 @!p0 $0x1082;
	s9 =	sld [smem:$0x3FB1]  }
0x2f: {  	lr =	sadd.s32 s0, s3;
	s0 =	sld [smem:$0x3FA8]  }
0x30: {  	s3 =	sld [smem:$0x3FAB]  }
0x31: {  	[smem:$0x3FB4] =	sst s10  }
0x32: {  	s10 =	sld [smem:$0x3FB2];
	_ =	sdelay $0x3  }
0x33: {  	p0 =	seq.s32 s10, $0x1;
	s10 =	sld [smem:$0x3FB4];
	_ =	sdelay $0x3  }
0x34: {  	[smem:$0x3FB4] =	sst s10  }
0x35: {  	s10 =	sld [smem:$0x3FB3];
	_ =	sdelay $0x3  }
0x36: {  	p1 =	seq.s32 s10, $0x1;
	s10 =	sld [smem:$0x3FB4];
	_ =	sdelay $0x3  }
0x37: {  	[smem:$0x3FB4] =	sst s10  }
0x38: {  	s10 =	sld [smem:$0x3FB5]  }
0x39: {  	_ = 	snop;
	(pc) =	sbr.ind lr, $3  }
0x3a: {  	_ = 	snop  }
0x3b: {  	_ = 	snop  }
0x3c: {  	p2 =	seq.s32 s10, $0x1;
	s10 =	sld [smem:$0x3FB4]  }
0x3d: {  	_ =	shalt  }
0x3e: {  	_ =	shalt  }
0x3f: {  	_ =	shalt  }
0x40: {  	_ =	shalt  }
0x41: {  	_ =	shalt  }
0x42: {  	_ =	shalt  }
0x43: {  	_ =	shalt  }
0x44: {  	_ =	shalt  }
0x45: {  	_ =	shalt  }
0x46: {  	_ =	shalt  }
0x47: {  	_ =	shalt  }
0x48: {  	_ =	shalt  }
0x49: {  	_ =	shalt  }
0x4a: {  	_ =	shalt  }
0x4b: {  	_ =	shalt  }
0x4c: {  	_ =	shalt  }
0x4d: {  	_ =	shalt  }
0x4e: {  	_ =	shalt  }
0x4f: {  	_ =	shalt  }
0x50: {  	_ =	shalt  }
0x51: {  	_ =	shalt  }
0x52: {  	_ =	shalt  }
0x53: {  	_ =	shalt  }
0x54: {  	_ =	shalt  }
0x55: {  	_ =	shalt  }
0x56: {  	_ =	shalt  }
0x57: {  	_ =	shalt  }
0x58: {  	_ =	shalt  }
0x59: {  	_ =	shalt  }
0x5a: {  	_ =	shalt  }
0x5b: {  	_ =	shalt  }
0x5c: {  	_ =	shalt  }
0x5d: {  	_ =	shalt  }
0x5e: {  	_ =	shalt  }
0x5f: {  	_ =	shalt  }
0x60: {  	_ =	shalt  }
0x61: {  	_ =	shalt  }
0x62: {  	_ =	shalt  }
0x63: {  	_ =	shalt  }
0x64: {  	_ =	shalt  }
0x65: {  	_ =	shalt  }
0x66: {  	_ =	shalt  }
0x67: {  	_ =	shalt  }
0x68: {  	_ =	shalt  }
0x69: {  	_ =	shalt  }
0x6a: {  	_ =	shalt  }
0x6b: {  	_ =	shalt  }
0x6c: {  	_ =	shalt  }
0x6d: {  	_ =	shalt  }
0x6e: {  	_ =	shalt  }
0x6f: {  	_ =	shalt  }
0x70: {  	_ =	shalt  }
0x71: {  	_ =	shalt  }
0x72: {  	_ =	shalt  }
0x73: {  	_ =	shalt  }
0x74: {  	_ =	shalt  }
0x75: {  	_ =	shalt  }
0x76: {  	_ =	shalt  }
0x77: {  	_ =	shalt  }
0x78: {  	_ =	shalt  }
0x79: {  	_ =	shalt  }
0x7a: {  	_ =	shalt  }
0x7b: {  	_ =	shalt  }
0x7c: {  	_ =	shalt  }
0x7d: {  	_ =	shalt  }
0x7e: {  	_ =	shalt  }
0x7f: {  	_ =	shalt  }
0x80: {  	_ =	shalt  }
0x81: {  	_ =	shalt  }
0x82: {  	_ =	shalt  }
0x83: {  	_ =	shalt  }
0x84: {  	_ =	shalt  }
0x85: {  	_ =	shalt  }
0x86: {  	_ =	shalt  }
0x87: {  	_ =	shalt  }
.Lfunc_end0:
.L_simem_size_0:
called_computation_lowered:
.L_overlay_start_0:
0x88: {  	s2 =	sld [smem:$0x3FD9]  }
0x89: {  	s3 =	sld [smem:$0x3FFE];
	_ =	sdelay $0x1  }
0x8a: {  	s1 =	srdreg.scid  }
0x8b: {  	s0 =	sand.u32 $0x1, s1  }
0x8c: {  	s16 =	sshll.u32 s0, $0xA;
	s2 =	sadd.s32 s3, s2  }
0x8d: {  	s2 =	sadd.s32 s2, s16  }
0x8e: {  	[smem:$0x3FC0] =	sst s2  }
0x8f: {  	_ = 	snop  }
0x90: {  	(tm) =	ssettm $0x1  }
0x91: {  	s17 =	sld [smem:$0x3FFB];
	_ =	sdelay $0x3  }
0x92: {  	_ =	strace s17  }
0x93: {  	s2 =	sld [smem:$0x3FFC];
	_ =	sdelay $0x3  }
0x94: {  	_ =	strace s2  }
0x95: {  	s2 =	sld [smem:$0x3FFD];
	_ =	sdelay $0x3  }
0x96: {  	_ =	strace s2  }
0x97: {  	_ =	strace $0x8FFFFFFF  }
0x98: {  	s18 =	sld [smem:$0x3FDB];
	_ =	sdelay $0x1  }
0x99: {  	s19 =	simm.s32 $_scs_section_size  }
0x9a: {  	s4 =	simm.s32 $_size__tile_overlayer_lowered;
	s5 =	simm.s32 $_tile_overlayer_lowered  }
0x9b: {  	s22 =	simm.s32 $0x1BFF;
	s21 =	sshll.u32 s5, $0x1;
	s2 =	sadd.s32 s19, s18  }
0x9c: {  	s6 =	simm.s32 $0x0;
	s20 =	sshll.u32 s4, $0x1;
	s4 =	sadd.s32 s21, s2  }
0x9d: {  	[timem:s6], [sflag:s22] =	dma.local [hbm:s4], s20  }
0x9e: {  	_ =	swait.ge [sflag:s22], s20  }
0x9f: {  	s3 =	ssub.s32 $0x0, s20;
	[sflag:s22] =	ssyncset.done $0x0  }
0xa0: {  	[sflag:s22] =	ssyncadd.s32 s3;
	_ =	sdelay $0x1  }
0xa1: {  	s23 =	simm.s32 $0x1B8B  }
0xa2: {  	_ =	swait.ge [sflag:s23], $0x1  }
0xa3: {  	[sflag:s23] =	ssyncset.done $0x0  }
0xa4: {  	s25 =	simm.s32 $0x1B8E;
	s24 =	sld [smem:$0x3FFE];
	[sflag:s23] =	ssyncadd.s32 $0xFFFFFFFF  }
0xa5: {  	s26 =	simm.s32 $execute0_lowered;
	[smem:$0x3FD2] =	sst s25  }
0xa6: {  	s4 =	sshll.u32 s26, $0x1;
	_ =	strace $0x80000046;
	[dreg:$0x1] =	wrdreg $0xFFFFFFFF  }
0xa7: {  	s28 =	simm.s32 $_size_execute0_lowered;
	s2 =	sadd.s32 s2, s4;
	[dreg:$0x0] =	wrdreg $0x0  }
0xa8: {  	s4 =	sshll.u32 s28, $0x1;
	[dreg:$0x2] =	wrdreg s2  }
0xa9: {  	[dreg:$0x3] =	wrdreg s4  }
0xaa: {  	[dreg:$0x4] =	wrdreg $0xC0  }
0xab: {  	_ =	task [dreg:s6], $0x5FFFF  }
0xac: {  	[dreg:$0x1] =	wrdreg $0xFFFFFFFF  }
0xad: {  	[dreg:$0x0] =	wrdreg $0x60  }
0xae: {  	[dreg:$0x2] =	wrdreg s24  }
0xaf: {  	[dreg:$0x3] =	wrdreg $0x9  }
0xb0: {  	_ =	task.clear_ibuf [dreg:s6], $0x4FFFF;
	_ =	strace $0x90000046  }
0xb1: {  	s29 =	simm.s32 $0x9;
	_ =	strace $0x80000048  }
0xb2: {  	_ =	swait.ge [sflag:s29], $0x1  }
0xb3: {  	[sflag:s29] =	ssyncadd.s32 $0xFFFFFFFF  }
0xb4: {  	_ =	strace $0x90000048  }
0xb5: {  	_ =	sfence  }
0xb6: {  	s30 =	sld [smem:$0x0];
	_ =	sdelay $0x2  }
0xb7: {  	s31 =	sshll.u32 s1, $0xD;
	s1 =	sshrl.u32 s1, $0x2  }
0xb8: {  	s3 =	sand.u32 $0x4000, s31;
	s1 =	sadd.s32 s1, s30  }
0xb9: {  	s0 =	sor.u32 s3, s0;
	s1 =	sshll.u32 s1, $0x11  }
0xba: {  	s0 =	sor.u32 s1, s0  }
0xbb: {  	s0 =	sadd.s32 $0x8F2B, s0  }
0xbc: {  	[sflag:s0] =	ssyncadd.remote.s32 $0x1  }
0xbd: {  	_ =	sfence.sel $0xFFFF  }
0xbe: {  	[dreg:$0x0] =	wrdreg $0xFFFFFFFF;
	(pc) =	sbr.abs _section_cstart, $3  }
0xbf: {  	[dreg:$0x1] =	wrdreg $0xFFFFFFFF  }
0xc0: {  	_ =	task.clear_ibuf [dreg:s6], $0x2FFFF;
	_ =	strace $0x9FFFFFFF  }
0xc1: {  	(tm) =	ssettm $0x7FFFFFFF  }
tec
execute0_lowered:
.L_overlay_start_1:
0x0: {  	(tag) =	ssettag $0x1  }
0x1: {  	s0 =	srdreg.scid  }
0x2: {  	s6 =	sand.u32 $0x1, s0;
	s0 =	stileid.u32  }
0x3: {  	s2 =	sor.u32 s0, s6  }
0x4: {  	p0 =	sne.s32 s2, $0x0  }
.Ltmp0:
0x5: {  	_ = 	snop;
	(pc) =	sbr.rel @p0 .LBB2_7-.Ltmp0, $3  }
0x6: {  	_ =	sdelay $0x1  }
0x7: {  	s7 =	rddreg [dreg:$0x0]  }
0x8: {  	s1 =	rddreg [dreg:$0x1];
	_ =	strace $0x80000047  }
0x9: {  	s2 =	sadd.s32 $0x3600, s7;
	s3 =	sadd.s32 $0x3400, s7  }
0xa: {  	s4 =	sadd.s32 $0x3A00, s7;
	s5 =	sadd.s32 $0x3800, s7;
	s8 =	ssub.s32 $0x2, s6  }
0xb: {  	s6 =	sadd.s32 $0x4000, s7;
	s7 =	sadd.s32 $0x3C00, s7;
	s10 =	simm.s32 $0x1  }
0xc: {  	s11 =	simm.s32 $0x800;
	s12 =	simm.s32 $0x1000;
	s13 =	simm.s32 $0x1800  }
0xd: {  	s14 =	simm.s32 $0x2000;
	s15 =	simm.s32 $0x3800;
	s9 =	sshrl.u32 s8, $0x1  }
0xe: {  	v0 =	vimm.s32 $0x0;
	v1 =	vimm.f32 $0.0e+00;
	v2 =	vlaneseq.u32;
	s16 =	simm.s32 $0x0;
	s8 =	ssub.s32 s8, s9;
	s9 =	simm.s32 $0x0  }
.LBB2_2:
0xf: {  	[tilespmem:s9], [sflag:$0x1] =	stream.linear.gather [hbm4b:s2+s9], $0x800, $0x38;
	[tilespmem:$0x5000] =	vst v63  }
0x10: {  	_ =	swait.ge [sflag:s10], $0x800  }
0x11: {  	[sflag:s10] =	ssyncset.done $0x0  }
0x12: {  	[sflag:s10] =	ssyncadd.s32 $0xFFFFF800  }
0x13: {  	[tilespmem:s11], [sflag:$0x1] =	stream.linear.gather [hbm4b:s3+s9], $0x800, $0x38;
	[tilespmem:$0x5000] =	vst v63  }
0x14: {  	_ =	swait.ge [sflag:s10], $0x800  }
0x15: {  	[sflag:s10] =	ssyncset.done $0x0  }
0x16: {  	[sflag:s10] =	ssyncadd.s32 $0xFFFFF800  }
0x17: {  	[tilespmem:s12], [sflag:$0x1] =	stream.linear.gather [hbm4b:s4+s9], $0x800, $0x38;
	[tilespmem:$0x5000] =	vst v63  }
0x18: {  	_ =	swait.ge [sflag:s10], $0x800  }
0x19: {  	[sflag:s10] =	ssyncset.done $0x0  }
0x1a: {  	[sflag:s10] =	ssyncadd.s32 $0xFFFFF800  }
0x1b: {  	[tilespmem:s13], [sflag:$0x1] =	stream.linear.gather [hbm4b:s5+s9], $0x800, $0x38;
	[tilespmem:$0x5000] =	vst v63  }
0x1c: {  	_ =	swait.ge [sflag:s10], $0x800  }
0x1d: {  	[sflag:s10] =	ssyncset.done $0x0  }
0x1e: {  	s17 =	simm.s32 $0x0;
	[sflag:s10] =	ssyncadd.s32 $0xFFFFF800  }
.LBB2_3:
0x1f: {  	p0 =	sne.s32 s17, $0x5FC0  }
.Ltmp1:
0x20: {  	_ = 	snop;
	(pc) =	sbr.rel @p0 .LBB2_3-.Ltmp1, $4  }
0x21: {  	_ = 	snop  }
0x22: {  	s18 =	sshra.s32 s17, $0x2  }
0x23: {  	[tilespmem:s18+$0x2000] =	vst v0  }
0x24: {  	s17 =	sadd.s32 $0x40, s17;
	[tilespmem:s18+$0x3800] =	vst v1  }
0x25: {  	s17 =	simm.s32 $0x0;
	s18 =	simm.s32 $0x1000  }
0x26: {  	s19 =	simm.s32 $0x800;
	s20 =	simm.s32 $0x1800;
	s21 =	simm.s32 $0x0  }
.LBB2_5:
0x27: {  	v3 =	vld [tilespmem:s17+$0x0];
	_ =	sdelay $0x6  }
0x28: {  	v4 =	vor.u32 s21, v2  }
0x29: {  	[tilespmem:v3+s14+$0x0] =	vst.idx.msk $0xffff, v4  }
0x2a: {  	v5 =	vld [tilespmem:s18+$0x0];
	_ =	sdelay $0x4  }
0x2b: {  	[tilespmem:v3+s15+$0x0] =	vst.idx.msk $0xffff, v5  }
0x2c: {  	v3 =	vld [tilespmem:s19+$0x0];
	_ =	sdelay $0x7  }
0x2d: {  	[tilespmem:v3+s14+$0x0] =	vst.idx.msk $0xffff, v4  }
0x2e: {  	p0 =	sne.s32 s21, $0x7F0;
	v4 =	vld [tilespmem:s20+$0x0]  }
.Ltmp2:
0x2f: {  	_ = 	snop;
	(pc) =	sbr.rel @p0 .LBB2_5-.Ltmp2, $3  }
0x30: {  	_ =	sdelay $0x1  }
0x31: {  	s17 =	sadd.s32 $0x10, s17;
	s21 =	sadd.s32 $0x10, s21  }
0x32: {  	s18 =	sadd.s32 $0x10, s18;
	s19 =	sadd.s32 $0x10, s19;
	s20 =	sadd.s32 $0x10, s20;
	[tilespmem:v3+s15+$0x0] =	vst.idx.msk $0xffff, v4  }
0x33: {  	[hbm4b:s6+s9] =	stream.linear.scatter [tilespmem:s14], [sflag:$0x1], $0x1800, $0x38;
	[tilespmem:$0x5000] =	vst v63  }
0x34: {  	s16 =	sadd.s32 $0x1, s16;
	_ =	swait.ge [sflag:s10], $0x1800  }
0x35: {  	p0 =	sne.s32 s16, s8;
	[sflag:s10] =	ssyncset.done $0x0  }
.Ltmp3:
0x36: {  	[sflag:s10] =	ssyncadd.s32 $0xFFFFE800;
	(pc) =	sbr.rel @p0 .LBB2_2-.Ltmp3, $4  }
0x37: {  	[hbm4b:s7+s9] =	stream.linear.scatter [tilespmem:s15], [sflag:$0x1], $0x1800, $0x38;
	[tilespmem:$0x5000] =	vst v63  }
0x38: {  	_ =	swait.ge [sflag:s10], $0x1800  }
0x39: {  	[sflag:s10] =	ssyncset.done $0x0  }
0x3a: {  	[sflag:s10] =	ssyncadd.s32 $0xFFFFE800  }
.LBB2_7:
0x3b: {  	_ =	sfence.sel $0x180000  }
0x3c: {  	[bflag:$0x0] =	sbarrier.arrive $0xFFFF  }
0x3d: {  	p0 =	sne.s32 s0, $0x0;
	_ =	strace $0x90000047  }
0x3e: {  	s0 =	sadd.s32 @!p0 $0x100000, s1;
	[bflag:$0x2] =	sbarrier.arrive $0xFFFF  }
0x3f: {  	[sflag:s0] =	ssyncadd.tile.s32 @!p0 $0x1;
	_ =	shalt  }
.Lfunc_end2:
_tile_overlayer_lowered:
.L_overlay_start_2:
0x40: {  	(tag) =	ssettag $0x2  }
0x41: {  	s0 =	rddreg [dreg:$0x0];
	s2 =	stileid.u32  }
0x42: {  	s1 =	rddreg [dreg:$0x1];
	p0 =	sne.s32 s2, $0x0  }
0x43: {  	s3 =	rddreg [dreg:$0x2];
	[bflag:$0x3] =	sbarrier.arrive $0xFFFF;
	s2 =	simm.s32 @!p0 $0x1C01  }
0x44: {  	[timem:s3], [sflag:s2] =	dma.local @!p0 [hbm:s0], s1  }
0x45: {  	s0 =	simm.s32 @!p0 $0x1  }
0x46: {  	_ =	swait.ge @!p0 [sflag:s0], s1  }
0x47: {  	s1 =	ssub.s32 @!p0 $0x0, s1;
	[sflag:s0] =	ssyncset.done @!p0 $0x0  }
0x48: {  	[sflag:s0] =	ssyncadd.s32 @!p0 s1  }
0x49: {  	[bflag:$0x3] =	sbarrier.arrive $0xFFFF  }
0x4a: {  	_ =	shalt  }

</sc_bundles>
